<compile_context>
chip_gen: v7x
topology: tpu7x:2x2x1
jax: 0.10.2.dev20260603
libtpu: 0.0.44.dev20260713+nightly
codegen_flags: <defaults>
</compile_context>

<pallas_src>
import functools
import math

import jax
import jax.numpy as jnp
from jax import lax
from jax.experimental import pallas as pl
from jax.experimental.pallas import tpu as pltpu
from jax.experimental.pallas import tpu_sc as plsc

VOCAB = 1_000_000
DIM = 64
SCALE = math.sqrt(DIM)

NC = 2
NS = 16
NW = NC * NS

B1 = 4096
B2 = 200
CHUNK = 128
NB = 2


def _emb_body(table_h, xidx_h, out_h, idx_v, rows_v, tbuf_v, *sems):
    wid = lax.axis_index("s") * NC + lax.axis_index("c")

    pltpu.sync_copy(xidx_h.at[:, wid], idx_v)

    gsems = sems[:NB]
    osems = sems[NB:]

    def gather_copy(j, b):
        return pltpu.make_async_copy(
            table_h.at[idx_v.at[j]], rows_v.at[b], gsems[b])

    def out_copy(j, b):
        return pltpu.make_async_copy(
            tbuf_v.at[b, :, :, pl.ds(0, CHUNK)],
            out_h.at[j, :, wid], osems[b])

    for b in range(NB):
        gather_copy(b, b).start()

    lanes = lax.iota(jnp.int32, 16)
    dts = [(16 * g + lanes) // 8 for g in range(DIM // 16)]
    dss = [(16 * g + lanes) % 8 for g in range(DIM // 16)]

    def chunk_step(t, carry):
        jj = t * NB
        for b in range(NB):
            j = jj + b
            gather_copy(j, b).wait()

            @pl.when(j >= NB)
            def _wait_prev_out():
                out_copy(j - NB, b).wait()

            rows = rows_v.at[b]
            tbuf = tbuf_v.at[b]

            @plsc.parallel_loop(0, CHUNK, unroll=4)
            def trans_s(s):
                svec = lanes * 0 + s
                for g in range(DIM // 16):
                    vec = rows[s, pl.ds(16 * g, 16)] * jnp.float32(SCALE)
                    plsc.store_scatter(tbuf, [dts[g], dss[g], svec], vec)

            @pl.when(j + NB < B2)
            def _issue_next_gather():
                gather_copy(j + NB, b).start()

            out_copy(j, b).start()
        return carry

    lax.fori_loop(0, B2 // NB, chunk_step, 0)

    for b in range(NB):
        out_copy(B2 - NB + b, b).wait()


@jax.jit
def _emb_call(x_idx, table_pad):
    mesh = plsc.VectorSubcoreMesh(core_axis_name="c", subcore_axis_name="s")
    kfn = pl.kernel(
        _emb_body,
        out_type=jax.ShapeDtypeStruct((B2, 8, NW, 8, CHUNK), jnp.float32),
        mesh=mesh,
        compiler_params=pltpu.CompilerParams(
            use_tc_tiling_on_sc=True, needs_layout_passes=False),
        scratch_types=[
            pltpu.VMEM((B2, CHUNK), jnp.int32),
            pltpu.VMEM((NB, CHUNK, 2 * DIM), jnp.float32),
            pltpu.VMEM((NB, 8, 8, CHUNK + 1), jnp.float32),
        ] + [pltpu.SemaphoreType.DMA] * (2 * NB),
    )
    out5 = kfn(table_pad, x_idx)
    return out5.transpose(2, 4, 0, 1, 3).reshape(B1, B2, DIM)


def kernel(x, table):
    x_idx = x.T.astype(jnp.int32).reshape(B2, NW, CHUNK)
    table_pad = jnp.pad(table, ((0, 0), (0, DIM)))
    return _emb_call(x_idx, table_pad)

# --- scband reference (transcript-rebuilt; emitter-appended) ---
"""Pipeline reference for scband-embedding-6116033429735 (READ-ONLY COPY).

The authoritative reference and input builder live on the scoring server;
editing this copy changes nothing except your own understanding.
"""

import math
import jax, jax.numpy as jnp
import numpy as np

VOCAB_SIZE = 1000000
DIM = 64

def setup_inputs(seed: int = 0) -> dict:
    key = jax.random.key(seed)
    k1, k2 = jax.random.split(key)
    x = jax.random.randint(k1, (4096, 200), 0, VOCAB_SIZE, dtype=jnp.int64 if jax.config.jax_enable_x64 else jnp.int32)
    # nn.Embedding default init: N(0, 1)
    table = jax.random.normal(k2, (VOCAB_SIZE, DIM), dtype=jnp.float32)
    return {"x": x, "table": table}

def reference(x, table):
    # Embedding lookup (gather) followed by scaling by sqrt(dim)
    emb = jnp.take(table, x, axis=0)
    return emb * math.sqrt(DIM)

if __name__ == "__main__":
    import jax
    _d = setup_inputs()
    print(jax.jit(kernel)(*tuple(_d.values())))

</pallas_src>

<mosaic_0001>
#map = affine_map<(d0, d1) -> (0, 0)>
#map1 = affine_map<(d0, d1) -> (0, 0, 0)>
#map2 = affine_map<(d0, d1) -> (0, 0, 0, 0, 0)>
module attributes {stable_mosaic.version = 14 : i64} {
  func.func @_emb_body(%arg0: i32, %arg1: i32, %arg2: memref<1000000x128xf32, #tpu.memory_space<hbm>>, %arg3: memref<200x32x128xi32, #tpu.memory_space<hbm>>, %arg4: memref<200x8x32x8x128xf32, #tpu.memory_space<hbm>>, %arg5: memref<200x128xi32, #tpu.memory_space<vmem>>, %arg6: memref<2x128x128xf32, #tpu.memory_space<vmem>>, %arg7: memref<2x8x8x129xf32, #tpu.memory_space<vmem>>, %arg8: memref<!tpu.dma_semaphore, #tpu.memory_space<semaphore_mem>>, %arg9: memref<!tpu.dma_semaphore, #tpu.memory_space<semaphore_mem>>, %arg10: memref<!tpu.dma_semaphore, #tpu.memory_space<semaphore_mem>>, %arg11: memref<!tpu.dma_semaphore, #tpu.memory_space<semaphore_mem>>) attributes {dimension_semantics = [#tpu.dimension_semantics<core_parallel>, #tpu.dimension_semantics<subcore_parallel>], iteration_bounds = array<i64: 2, 16>, scalar_prefetch = 0 : i64, scratch_operands = 7 : i64, tpu.core_type = #tpu.core_type<sc_vector_subcore>, window_params = [{transform_indices = #map}, {transform_indices = #map1}, {transform_indices = #map2}]} {
    %mul3A = arith.constant 2 : i32
    %mul3A_0 = arith.muli %arg1, %mul3A : i32
    %add3A = arith.addi %mul3A_0, %arg0 : i32
    "tpu.region"() ({
      %run_scoped3A = tpu.sem_alloc : memref<!tpu.dma_semaphore, #tpu.memory_space<semaphore_mem>>
      %dma_start3A_298 = arith.constant 0 : i32
      %dma_start3A_299 = arith.constant 0 : i32
      %dma_start3A_300 = tpu.memref_slice %arg3[%dma_start3A_298, %add3A, %dma_start3A_299] : memref<200x32x128xi32, #tpu.memory_space<hbm>> -> memref<200x1x128xi32, #tpu.memory_space<hbm>>
      %dma_start3A_301 = tpu.memref_squeeze %dma_start3A_300 : memref<200x1x128xi32, #tpu.memory_space<hbm>> -> memref<200x128xi32, #tpu.memory_space<hbm>>
      %dma_start3A_302 = arith.constant 0 : i32
      %dma_start3A_303 = arith.constant 0 : i32
      %dma_start3A_304 = tpu.memref_slice %arg3[%dma_start3A_302, %add3A, %dma_start3A_303] : memref<200x32x128xi32, #tpu.memory_space<hbm>> -> memref<200x1x128xi32, #tpu.memory_space<hbm>>
      %dma_start3A_305 = tpu.memref_squeeze %dma_start3A_304 : memref<200x1x128xi32, #tpu.memory_space<hbm>> -> memref<200x128xi32, #tpu.memory_space<hbm>>
      tpu.enqueue_dma source(%dma_start3A_305 : memref<200x128xi32, #tpu.memory_space<hbm>>) target(%arg5 : memref<200x128xi32, #tpu.memory_space<vmem>>) target_semaphore(%run_scoped3A : memref<!tpu.dma_semaphore, #tpu.memory_space<semaphore_mem>>)
      %dma_wait3A_306 = arith.constant 0 : i32
      %dma_wait3A_307 = arith.constant 0 : i32
      %dma_wait3A_308 = tpu.memref_slice %arg3[%dma_wait3A_306, %add3A, %dma_wait3A_307] : memref<200x32x128xi32, #tpu.memory_space<hbm>> -> memref<200x1x128xi32, #tpu.memory_space<hbm>>
      %dma_wait3A_309 = tpu.memref_squeeze %dma_wait3A_308 : memref<200x1x128xi32, #tpu.memory_space<hbm>> -> memref<200x128xi32, #tpu.memory_space<hbm>>
      %dma_wait3A_310 = arith.constant 0 : i32
      %dma_wait3A_311 = arith.constant 0 : i32
      %dma_wait3A_312 = tpu.memref_slice %arg3[%dma_wait3A_310, %add3A, %dma_wait3A_311] : memref<200x32x128xi32, #tpu.memory_space<hbm>> -> memref<200x1x128xi32, #tpu.memory_space<hbm>>
      %dma_wait3A_313 = tpu.memref_squeeze %dma_wait3A_312 : memref<200x1x128xi32, #tpu.memory_space<hbm>> -> memref<200x128xi32, #tpu.memory_space<hbm>>
      tpu.wait_dma2 semaphore(%run_scoped3A : memref<!tpu.dma_semaphore, #tpu.memory_space<semaphore_mem>>) src(%dma_wait3A_313 : memref<200x128xi32, #tpu.memory_space<hbm>>) dst(%arg5 : memref<200x128xi32, #tpu.memory_space<vmem>>)
      tpu.yield
    }) : () -> ()
    %dma_start3A = arith.constant 0 : i32
    %dma_start3A_1 = arith.constant 0 : i32
    %dma_start3A_2 = arith.constant 0 : i32
    %dma_start3A_3 = arith.constant 0 : i32
    %dma_start3A_4 = tpu.memref_slice %arg6[%dma_start3A_1, %dma_start3A_2, %dma_start3A_3] : memref<2x128x128xf32, #tpu.memory_space<vmem>> -> memref<1x128x128xf32, #tpu.memory_space<vmem>>
    %dma_start3A_5 = tpu.memref_squeeze %dma_start3A_4 : memref<1x128x128xf32, #tpu.memory_space<vmem>> -> memref<128x128xf32, #tpu.memory_space<vmem>>
    %dma_start3A_6 = arith.constant 0 : i32
    %dma_start3A_7 = tpu.memref_slice %arg5[%dma_start3A, %dma_start3A_6] : memref<200x128xi32, #tpu.memory_space<vmem>> -> memref<1x128xi32, #tpu.memory_space<vmem>>
    %dma_start3A_8 = tpu.memref_squeeze %dma_start3A_7 : memref<1x128xi32, #tpu.memory_space<vmem>> -> memref<128xi32, #tpu.memory_space<vmem>>
    %dma_start3A_9 = arith.constant 0 : i32
    %dma_start3A_10 = arith.constant 0 : i32
    %dma_start3A_11 = tpu.memref_slice %arg2[%dma_start3A_9, %dma_start3A_10] : memref<1000000x128xf32, #tpu.memory_space<hbm>> -> memref<1000000x128xf32, #tpu.memory_space<hbm>>
    tpu.enqueue_indirect_dma source(%dma_start3A_11 : memref<1000000x128xf32, #tpu.memory_space<hbm>>) target(%dma_start3A_5 : memref<128x128xf32, #tpu.memory_space<vmem>>) offsets(%dma_start3A_8 : memref<128xi32, #tpu.memory_space<vmem>>) semaphore(%arg8 : memref<!tpu.dma_semaphore, #tpu.memory_space<semaphore_mem>>)
    %dma_start3A_12 = arith.constant 1 : i32
    %dma_start3A_13 = arith.constant 1 : i32
    %dma_start3A_14 = arith.constant 0 : i32
    %dma_start3A_15 = arith.constant 0 : i32
    %dma_start3A_16 = tpu.memref_slice %arg6[%dma_start3A_13, %dma_start3A_14, %dma_start3A_15] : memref<2x128x128xf32, #tpu.memory_space<vmem>> -> memref<1x128x128xf32, #tpu.memory_space<vmem>>
    %dma_start3A_17 = tpu.memref_squeeze %dma_start3A_16 : memref<1x128x128xf32, #tpu.memory_space<vmem>> -> memref<128x128xf32, #tpu.memory_space<vmem>>
    %dma_start3A_18 = arith.constant 0 : i32
    %dma_start3A_19 = tpu.memref_slice %arg5[%dma_start3A_12, %dma_start3A_18] : memref<200x128xi32, #tpu.memory_space<vmem>> -> memref<1x128xi32, #tpu.memory_space<vmem>>
    %dma_start3A_20 = tpu.memref_squeeze %dma_start3A_19 : memref<1x128xi32, #tpu.memory_space<vmem>> -> memref<128xi32, #tpu.memory_space<vmem>>
    %dma_start3A_21 = arith.constant 0 : i32
    %dma_start3A_22 = arith.constant 0 : i32
    %dma_start3A_23 = tpu.memref_slice %arg2[%dma_start3A_21, %dma_start3A_22] : memref<1000000x128xf32, #tpu.memory_space<hbm>> -> memref<1000000x128xf32, #tpu.memory_space<hbm>>
    tpu.enqueue_indirect_dma source(%dma_start3A_23 : memref<1000000x128xf32, #tpu.memory_space<hbm>>) target(%dma_start3A_17 : memref<128x128xf32, #tpu.memory_space<vmem>>) offsets(%dma_start3A_20 : memref<128xi32, #tpu.memory_space<vmem>>) semaphore(%arg9 : memref<!tpu.dma_semaphore, #tpu.memory_space<semaphore_mem>>)
    %iota3A = tpu.iota {dimensions = array<i32: 0>} : vector<16xi32>
    %add3A_24 = arith.constant 0 : i32
    %add3A_25 = vector.broadcast %add3A_24 : i32 to vector<16xi32>
    %add3A_26 = arith.addi %add3A_25, %iota3A : vector<16xi32>
    %jit3A = arith.constant 8 : i32
    %div3A = vector.broadcast %jit3A : i32 to vector<16xi32>
    %div3A_27 = arith.divsi %add3A_26, %div3A : vector<16xi32>
    %sign3A = arith.constant 0 : i32
    %sign3A_28 = vector.broadcast %sign3A : i32 to vector<16xi32>
    %sign3A_29 = arith.cmpi sgt, %add3A_26, %sign3A_28 : vector<16xi32>
    %sign3A_30 = arith.extui %sign3A_29 : vector<16xi1> to vector<16xi32>
    %sign3A_31 = arith.constant 0 : i32
    %sign3A_32 = vector.broadcast %sign3A_31 : i32 to vector<16xi32>
    %sign3A_33 = arith.cmpi slt, %add3A_26, %sign3A_32 : vector<16xi32>
    %sign3A_34 = arith.extui %sign3A_33 : vector<16xi1> to vector<16xi32>
    %sign3A_35 = arith.subi %sign3A_30, %sign3A_34 : vector<16xi32>
    %sign3A_36 = arith.constant 0 : i32
    %sign3A_37 = arith.cmpi sgt, %jit3A, %sign3A_36 : i32
    %sign3A_38 = arith.extui %sign3A_37 : i1 to i32
    %sign3A_39 = arith.constant 0 : i32
    %sign3A_40 = arith.cmpi slt, %jit3A, %sign3A_39 : i32
    %sign3A_41 = arith.extui %sign3A_40 : i1 to i32
    %sign3A_42 = arith.subi %sign3A_38, %sign3A_41 : i32
    %ne3A = vector.broadcast %sign3A_42 : i32 to vector<16xi32>
    %ne3A_43 = arith.cmpi ne, %sign3A_35, %ne3A : vector<16xi32>
    %rem3A = vector.broadcast %jit3A : i32 to vector<16xi32>
    %rem3A_44 = arith.remsi %add3A_26, %rem3A : vector<16xi32>
    %ne3A_45 = arith.constant 0 : i32
    %ne3A_46 = vector.broadcast %ne3A_45 : i32 to vector<16xi32>
    %ne3A_47 = arith.cmpi ne, %rem3A_44, %ne3A_46 : vector<16xi32>
    %and3A = arith.andi %ne3A_43, %ne3A_47 : vector<16xi1>
    %sub3A = arith.constant 1 : i32
    %sub3A_48 = vector.broadcast %sub3A : i32 to vector<16xi32>
    %sub3A_49 = arith.subi %div3A_27, %sub3A_48 : vector<16xi32>
    %select_n3A = arith.select %and3A, %sub3A_49, %div3A_27 : vector<16xi1>, vector<16xi32>
    %add3A_50 = arith.constant 16 : i32
    %add3A_51 = vector.broadcast %add3A_50 : i32 to vector<16xi32>
    %add3A_52 = arith.addi %add3A_51, %iota3A : vector<16xi32>
    %jit3A_53 = arith.constant 8 : i32
    %div3A_54 = vector.broadcast %jit3A_53 : i32 to vector<16xi32>
    %div3A_55 = arith.divsi %add3A_52, %div3A_54 : vector<16xi32>
    %sign3A_56 = arith.constant 0 : i32
    %sign3A_57 = vector.broadcast %sign3A_56 : i32 to vector<16xi32>
    %sign3A_58 = arith.cmpi sgt, %add3A_52, %sign3A_57 : vector<16xi32>
    %sign3A_59 = arith.extui %sign3A_58 : vector<16xi1> to vector<16xi32>
    %sign3A_60 = arith.constant 0 : i32
    %sign3A_61 = vector.broadcast %sign3A_60 : i32 to vector<16xi32>
    %sign3A_62 = arith.cmpi slt, %add3A_52, %sign3A_61 : vector<16xi32>
    %sign3A_63 = arith.extui %sign3A_62 : vector<16xi1> to vector<16xi32>
    %sign3A_64 = arith.subi %sign3A_59, %sign3A_63 : vector<16xi32>
    %sign3A_65 = arith.constant 0 : i32
    %sign3A_66 = arith.cmpi sgt, %jit3A_53, %sign3A_65 : i32
    %sign3A_67 = arith.extui %sign3A_66 : i1 to i32
    %sign3A_68 = arith.constant 0 : i32
    %sign3A_69 = arith.cmpi slt, %jit3A_53, %sign3A_68 : i32
    %sign3A_70 = arith.extui %sign3A_69 : i1 to i32
    %sign3A_71 = arith.subi %sign3A_67, %sign3A_70 : i32
    %ne3A_72 = vector.broadcast %sign3A_71 : i32 to vector<16xi32>
    %ne3A_73 = arith.cmpi ne, %sign3A_64, %ne3A_72 : vector<16xi32>
    %rem3A_74 = vector.broadcast %jit3A_53 : i32 to vector<16xi32>
    %rem3A_75 = arith.remsi %add3A_52, %rem3A_74 : vector<16xi32>
    %ne3A_76 = arith.constant 0 : i32
    %ne3A_77 = vector.broadcast %ne3A_76 : i32 to vector<16xi32>
    %ne3A_78 = arith.cmpi ne, %rem3A_75, %ne3A_77 : vector<16xi32>
    %and3A_79 = arith.andi %ne3A_73, %ne3A_78 : vector<16xi1>
    %sub3A_80 = arith.constant 1 : i32
    %sub3A_81 = vector.broadcast %sub3A_80 : i32 to vector<16xi32>
    %sub3A_82 = arith.subi %div3A_55, %sub3A_81 : vector<16xi32>
    %select_n3A_83 = arith.select %and3A_79, %sub3A_82, %div3A_55 : vector<16xi1>, vector<16xi32>
    %add3A_84 = arith.constant 32 : i32
    %add3A_85 = vector.broadcast %add3A_84 : i32 to vector<16xi32>
    %add3A_86 = arith.addi %add3A_85, %iota3A : vector<16xi32>
    %jit3A_87 = arith.constant 8 : i32
    %div3A_88 = vector.broadcast %jit3A_87 : i32 to vector<16xi32>
    %div3A_89 = arith.divsi %add3A_86, %div3A_88 : vector<16xi32>
    %sign3A_90 = arith.constant 0 : i32
    %sign3A_91 = vector.broadcast %sign3A_90 : i32 to vector<16xi32>
    %sign3A_92 = arith.cmpi sgt, %add3A_86, %sign3A_91 : vector<16xi32>
    %sign3A_93 = arith.extui %sign3A_92 : vector<16xi1> to vector<16xi32>
    %sign3A_94 = arith.constant 0 : i32
    %sign3A_95 = vector.broadcast %sign3A_94 : i32 to vector<16xi32>
    %sign3A_96 = arith.cmpi slt, %add3A_86, %sign3A_95 : vector<16xi32>
    %sign3A_97 = arith.extui %sign3A_96 : vector<16xi1> to vector<16xi32>
    %sign3A_98 = arith.subi %sign3A_93, %sign3A_97 : vector<16xi32>
    %sign3A_99 = arith.constant 0 : i32
    %sign3A_100 = arith.cmpi sgt, %jit3A_87, %sign3A_99 : i32
    %sign3A_101 = arith.extui %sign3A_100 : i1 to i32
    %sign3A_102 = arith.constant 0 : i32
    %sign3A_103 = arith.cmpi slt, %jit3A_87, %sign3A_102 : i32
    %sign3A_104 = arith.extui %sign3A_103 : i1 to i32
    %sign3A_105 = arith.subi %sign3A_101, %sign3A_104 : i32
    %ne3A_106 = vector.broadcast %sign3A_105 : i32 to vector<16xi32>
    %ne3A_107 = arith.cmpi ne, %sign3A_98, %ne3A_106 : vector<16xi32>
    %rem3A_108 = vector.broadcast %jit3A_87 : i32 to vector<16xi32>
    %rem3A_109 = arith.remsi %add3A_86, %rem3A_108 : vector<16xi32>
    %ne3A_110 = arith.constant 0 : i32
    %ne3A_111 = vector.broadcast %ne3A_110 : i32 to vector<16xi32>
    %ne3A_112 = arith.cmpi ne, %rem3A_109, %ne3A_111 : vector<16xi32>
    %and3A_113 = arith.andi %ne3A_107, %ne3A_112 : vector<16xi1>
    %sub3A_114 = arith.constant 1 : i32
    %sub3A_115 = vector.broadcast %sub3A_114 : i32 to vector<16xi32>
    %sub3A_116 = arith.subi %div3A_89, %sub3A_115 : vector<16xi32>
    %select_n3A_117 = arith.select %and3A_113, %sub3A_116, %div3A_89 : vector<16xi1>, vector<16xi32>
    %add3A_118 = arith.constant 48 : i32
    %add3A_119 = vector.broadcast %add3A_118 : i32 to vector<16xi32>
    %add3A_120 = arith.addi %add3A_119, %iota3A : vector<16xi32>
    %jit3A_121 = arith.constant 8 : i32
    %div3A_122 = vector.broadcast %jit3A_121 : i32 to vector<16xi32>
    %div3A_123 = arith.divsi %add3A_120, %div3A_122 : vector<16xi32>
    %sign3A_124 = arith.constant 0 : i32
    %sign3A_125 = vector.broadcast %sign3A_124 : i32 to vector<16xi32>
    %sign3A_126 = arith.cmpi sgt, %add3A_120, %sign3A_125 : vector<16xi32>
    %sign3A_127 = arith.extui %sign3A_126 : vector<16xi1> to vector<16xi32>
    %sign3A_128 = arith.constant 0 : i32
    %sign3A_129 = vector.broadcast %sign3A_128 : i32 to vector<16xi32>
    %sign3A_130 = arith.cmpi slt, %add3A_120, %sign3A_129 : vector<16xi32>
    %sign3A_131 = arith.extui %sign3A_130 : vector<16xi1> to vector<16xi32>
    %sign3A_132 = arith.subi %sign3A_127, %sign3A_131 : vector<16xi32>
    %sign3A_133 = arith.constant 0 : i32
    %sign3A_134 = arith.cmpi sgt, %jit3A_121, %sign3A_133 : i32
    %sign3A_135 = arith.extui %sign3A_134 : i1 to i32
    %sign3A_136 = arith.constant 0 : i32
    %sign3A_137 = arith.cmpi slt, %jit3A_121, %sign3A_136 : i32
    %sign3A_138 = arith.extui %sign3A_137 : i1 to i32
    %sign3A_139 = arith.subi %sign3A_135, %sign3A_138 : i32
    %ne3A_140 = vector.broadcast %sign3A_139 : i32 to vector<16xi32>
    %ne3A_141 = arith.cmpi ne, %sign3A_132, %ne3A_140 : vector<16xi32>
    %rem3A_142 = vector.broadcast %jit3A_121 : i32 to vector<16xi32>
    %rem3A_143 = arith.remsi %add3A_120, %rem3A_142 : vector<16xi32>
    %ne3A_144 = arith.constant 0 : i32
    %ne3A_145 = vector.broadcast %ne3A_144 : i32 to vector<16xi32>
    %ne3A_146 = arith.cmpi ne, %rem3A_143, %ne3A_145 : vector<16xi32>
    %and3A_147 = arith.andi %ne3A_141, %ne3A_146 : vector<16xi1>
    %sub3A_148 = arith.constant 1 : i32
    %sub3A_149 = vector.broadcast %sub3A_148 : i32 to vector<16xi32>
    %sub3A_150 = arith.subi %div3A_123, %sub3A_149 : vector<16xi32>
    %select_n3A_151 = arith.select %and3A_147, %sub3A_150, %div3A_123 : vector<16xi1>, vector<16xi32>
    %add3A_152 = arith.constant 0 : i32
    %add3A_153 = vector.broadcast %add3A_152 : i32 to vector<16xi32>
    %add3A_154 = arith.addi %add3A_153, %iota3A : vector<16xi32>
    %jit3A_155 = arith.constant 8 : i32
    %eq3A = arith.constant 0 : i32
    %eq3A_156 = arith.cmpi eq, %jit3A_155, %eq3A : i32
    %jit3A_157 = arith.constant 1 : i32
    %select_n3A_158 = arith.select %eq3A_156, %jit3A_157, %jit3A_155 : i32
    %rem3A_159 = vector.broadcast %select_n3A_158 : i32 to vector<16xi32>
    %rem3A_160 = arith.remsi %add3A_154, %rem3A_159 : vector<16xi32>
    %ne3A_161 = arith.constant 0 : i32
    %ne3A_162 = vector.broadcast %ne3A_161 : i32 to vector<16xi32>
    %ne3A_163 = arith.cmpi ne, %rem3A_160, %ne3A_162 : vector<16xi32>
    %lt3A = arith.constant 0 : i32
    %lt3A_164 = vector.broadcast %lt3A : i32 to vector<16xi32>
    %lt3A_165 = arith.cmpi slt, %rem3A_160, %lt3A_164 : vector<16xi32>
    %lt3A_166 = arith.constant 0 : i32
    %lt3A_167 = arith.cmpi slt, %select_n3A_158, %lt3A_166 : i32
    %ne3A_168 = vector.broadcast %lt3A_167 : i1 to vector<16xi1>
    %ne3A_169 = vector.broadcast %ne3A_168 : vector<16xi1> to vector<16xi1>
    %ne3A_170 = arith.xori %lt3A_165, %ne3A_169 : vector<16xi1>
    %and3A_171 = arith.andi %ne3A_170, %ne3A_163 : vector<16xi1>
    %add3A_172 = vector.broadcast %select_n3A_158 : i32 to vector<16xi32>
    %add3A_173 = arith.addi %rem3A_160, %add3A_172 : vector<16xi32>
    %select_n3A_174 = arith.select %and3A_171, %add3A_173, %rem3A_160 : vector<16xi1>, vector<16xi32>
    %add3A_175 = arith.constant 16 : i32
    %add3A_176 = vector.broadcast %add3A_175 : i32 to vector<16xi32>
    %add3A_177 = arith.addi %add3A_176, %iota3A : vector<16xi32>
    %jit3A_178 = arith.constant 8 : i32
    %eq3A_179 = arith.constant 0 : i32
    %eq3A_180 = arith.cmpi eq, %jit3A_178, %eq3A_179 : i32
    %jit3A_181 = arith.constant 1 : i32
    %select_n3A_182 = arith.select %eq3A_180, %jit3A_181, %jit3A_178 : i32
    %rem3A_183 = vector.broadcast %select_n3A_182 : i32 to vector<16xi32>
    %rem3A_184 = arith.remsi %add3A_177, %rem3A_183 : vector<16xi32>
    %ne3A_185 = arith.constant 0 : i32
    %ne3A_186 = vector.broadcast %ne3A_185 : i32 to vector<16xi32>
    %ne3A_187 = arith.cmpi ne, %rem3A_184, %ne3A_186 : vector<16xi32>
    %lt3A_188 = arith.constant 0 : i32
    %lt3A_189 = vector.broadcast %lt3A_188 : i32 to vector<16xi32>
    %lt3A_190 = arith.cmpi slt, %rem3A_184, %lt3A_189 : vector<16xi32>
    %lt3A_191 = arith.constant 0 : i32
    %lt3A_192 = arith.cmpi slt, %select_n3A_182, %lt3A_191 : i32
    %ne3A_193 = vector.broadcast %lt3A_192 : i1 to vector<16xi1>
    %ne3A_194 = vector.broadcast %ne3A_193 : vector<16xi1> to vector<16xi1>
    %ne3A_195 = arith.xori %lt3A_190, %ne3A_194 : vector<16xi1>
    %and3A_196 = arith.andi %ne3A_195, %ne3A_187 : vector<16xi1>
    %add3A_197 = vector.broadcast %select_n3A_182 : i32 to vector<16xi32>
    %add3A_198 = arith.addi %rem3A_184, %add3A_197 : vector<16xi32>
    %select_n3A_199 = arith.select %and3A_196, %add3A_198, %rem3A_184 : vector<16xi1>, vector<16xi32>
    %add3A_200 = arith.constant 32 : i32
    %add3A_201 = vector.broadcast %add3A_200 : i32 to vector<16xi32>
    %add3A_202 = arith.addi %add3A_201, %iota3A : vector<16xi32>
    %jit3A_203 = arith.constant 8 : i32
    %eq3A_204 = arith.constant 0 : i32
    %eq3A_205 = arith.cmpi eq, %jit3A_203, %eq3A_204 : i32
    %jit3A_206 = arith.constant 1 : i32
    %select_n3A_207 = arith.select %eq3A_205, %jit3A_206, %jit3A_203 : i32
    %rem3A_208 = vector.broadcast %select_n3A_207 : i32 to vector<16xi32>
    %rem3A_209 = arith.remsi %add3A_202, %rem3A_208 : vector<16xi32>
    %ne3A_210 = arith.constant 0 : i32
    %ne3A_211 = vector.broadcast %ne3A_210 : i32 to vector<16xi32>
    %ne3A_212 = arith.cmpi ne, %rem3A_209, %ne3A_211 : vector<16xi32>
    %lt3A_213 = arith.constant 0 : i32
    %lt3A_214 = vector.broadcast %lt3A_213 : i32 to vector<16xi32>
    %lt3A_215 = arith.cmpi slt, %rem3A_209, %lt3A_214 : vector<16xi32>
    %lt3A_216 = arith.constant 0 : i32
    %lt3A_217 = arith.cmpi slt, %select_n3A_207, %lt3A_216 : i32
    %ne3A_218 = vector.broadcast %lt3A_217 : i1 to vector<16xi1>
    %ne3A_219 = vector.broadcast %ne3A_218 : vector<16xi1> to vector<16xi1>
    %ne3A_220 = arith.xori %lt3A_215, %ne3A_219 : vector<16xi1>
    %and3A_221 = arith.andi %ne3A_220, %ne3A_212 : vector<16xi1>
    %add3A_222 = vector.broadcast %select_n3A_207 : i32 to vector<16xi32>
    %add3A_223 = arith.addi %rem3A_209, %add3A_222 : vector<16xi32>
    %select_n3A_224 = arith.select %and3A_221, %add3A_223, %rem3A_209 : vector<16xi1>, vector<16xi32>
    %add3A_225 = arith.constant 48 : i32
    %add3A_226 = vector.broadcast %add3A_225 : i32 to vector<16xi32>
    %add3A_227 = arith.addi %add3A_226, %iota3A : vector<16xi32>
    %jit3A_228 = arith.constant 8 : i32
    %eq3A_229 = arith.constant 0 : i32
    %eq3A_230 = arith.cmpi eq, %jit3A_228, %eq3A_229 : i32
    %jit3A_231 = arith.constant 1 : i32
    %select_n3A_232 = arith.select %eq3A_230, %jit3A_231, %jit3A_228 : i32
    %rem3A_233 = vector.broadcast %select_n3A_232 : i32 to vector<16xi32>
    %rem3A_234 = arith.remsi %add3A_227, %rem3A_233 : vector<16xi32>
    %ne3A_235 = arith.constant 0 : i32
    %ne3A_236 = vector.broadcast %ne3A_235 : i32 to vector<16xi32>
    %ne3A_237 = arith.cmpi ne, %rem3A_234, %ne3A_236 : vector<16xi32>
    %lt3A_238 = arith.constant 0 : i32
    %lt3A_239 = vector.broadcast %lt3A_238 : i32 to vector<16xi32>
    %lt3A_240 = arith.cmpi slt, %rem3A_234, %lt3A_239 : vector<16xi32>
    %lt3A_241 = arith.constant 0 : i32
    %lt3A_242 = arith.cmpi slt, %select_n3A_232, %lt3A_241 : i32
    %ne3A_243 = vector.broadcast %lt3A_242 : i1 to vector<16xi1>
    %ne3A_244 = vector.broadcast %ne3A_243 : vector<16xi1> to vector<16xi1>
    %ne3A_245 = arith.xori %lt3A_240, %ne3A_244 : vector<16xi1>
    %and3A_246 = arith.andi %ne3A_245, %ne3A_237 : vector<16xi1>
    %add3A_247 = vector.broadcast %select_n3A_232 : i32 to vector<16xi32>
    %add3A_248 = arith.addi %rem3A_234, %add3A_247 : vector<16xi32>
    %select_n3A_249 = arith.select %and3A_246, %add3A_248, %rem3A_234 : vector<16xi1>, vector<16xi32>
    %scan3A = arith.constant 0 : i32
    %scan3A_250 = arith.constant 0 : i32
    %scan3A_251 = arith.constant 100 : i32
    %scan3A_252 = arith.addi %scan3A_250, %scan3A_251 : i32
    %scan3A_253 = arith.constant 1 : i32
    scf.for %scan3A_298 = %scan3A_250 to %scan3A_252 step %scan3A_253  : i32 {
      %mul3A_299 = arith.constant 2 : i32
      %mul3A_300 = arith.muli %scan3A_298, %mul3A_299 : i32
      %add3A_301 = arith.constant 0 : i32
      %add3A_302 = arith.addi %mul3A_300, %add3A_301 : i32
      %dma_wait3A_303 = arith.constant 0 : i32
      %dma_wait3A_304 = arith.constant 0 : i32
      %dma_wait3A_305 = arith.constant 0 : i32
      %dma_wait3A_306 = tpu.memref_slice %arg6[%dma_wait3A_303, %dma_wait3A_304, %dma_wait3A_305] : memref<2x128x128xf32, #tpu.memory_space<vmem>> -> memref<1x128x128xf32, #tpu.memory_space<vmem>>
      %dma_wait3A_307 = tpu.memref_squeeze %dma_wait3A_306 : memref<1x128x128xf32, #tpu.memory_space<vmem>> -> memref<128x128xf32, #tpu.memory_space<vmem>>
      %dma_wait3A_308 = arith.constant 0 : i32
      %dma_wait3A_309 = tpu.memref_slice %arg5[%add3A_302, %dma_wait3A_308] : memref<200x128xi32, #tpu.memory_space<vmem>> -> memref<1x128xi32, #tpu.memory_space<vmem>>
      %dma_wait3A_310 = tpu.memref_squeeze %dma_wait3A_309 : memref<1x128xi32, #tpu.memory_space<vmem>> -> memref<128xi32, #tpu.memory_space<vmem>>
      %dma_wait3A_311 = arith.constant 0 : i32
      %dma_wait3A_312 = arith.constant 0 : i32
      %dma_wait3A_313 = tpu.memref_slice %arg2[%dma_wait3A_311, %dma_wait3A_312] : memref<1000000x128xf32, #tpu.memory_space<hbm>> -> memref<1000000x128xf32, #tpu.memory_space<hbm>>
      tpu.wait_indirect_dma semaphore(%arg8 : memref<!tpu.dma_semaphore, #tpu.memory_space<semaphore_mem>>) src(%dma_wait3A_313 : memref<1000000x128xf32, #tpu.memory_space<hbm>>) dst(%dma_wait3A_307 : memref<128x128xf32, #tpu.memory_space<vmem>>)
      %ge3A = arith.constant 2 : i32
      %ge3A_314 = arith.cmpi sge, %add3A_302, %ge3A : i32
      %convert_element_type3A = arith.extui %ge3A_314 : i1 to i32
      %cond3A = arith.constant 0 : i32
      %cond3A_315 = arith.cmpi ne, %convert_element_type3A, %cond3A : i32
      scf.if %cond3A_315 {
        %sub3A_399 = arith.constant 2 : i32
        %sub3A_400 = arith.subi %add3A_302, %sub3A_399 : i32
        %dma_wait3A_401 = arith.constant 0 : i32
        %dma_wait3A_402 = arith.constant 0 : i32
        %dma_wait3A_403 = arith.constant 0 : i32
        %dma_wait3A_404 = arith.constant 0 : i32
        %dma_wait3A_405 = tpu.memref_slice %arg7[%dma_wait3A_401, %dma_wait3A_402, %dma_wait3A_403, %dma_wait3A_404] : memref<2x8x8x129xf32, #tpu.memory_space<vmem>> -> memref<1x8x8x128xf32, #tpu.memory_space<vmem>>
        %dma_wait3A_406 = tpu.memref_squeeze %dma_wait3A_405 : memref<1x8x8x128xf32, #tpu.memory_space<vmem>> -> memref<8x8x128xf32, #tpu.memory_space<vmem>>
        %dma_wait3A_407 = arith.constant 0 : i32
        %dma_wait3A_408 = arith.constant 0 : i32
        %dma_wait3A_409 = arith.constant 0 : i32
        %dma_wait3A_410 = tpu.memref_slice %arg4[%sub3A_400, %dma_wait3A_407, %add3A, %dma_wait3A_408, %dma_wait3A_409] : memref<200x8x32x8x128xf32, #tpu.memory_space<hbm>> -> memref<1x8x1x8x128xf32, #tpu.memory_space<hbm>>
        %dma_wait3A_411 = tpu.memref_squeeze %dma_wait3A_410 : memref<1x8x1x8x128xf32, #tpu.memory_space<hbm>> -> memref<8x8x128xf32, #tpu.memory_space<hbm>>
        %dma_wait3A_412 = arith.constant 0 : i32
        %dma_wait3A_413 = arith.constant 0 : i32
        %dma_wait3A_414 = arith.constant 0 : i32
        %dma_wait3A_415 = tpu.memref_slice %arg4[%sub3A_400, %dma_wait3A_412, %add3A, %dma_wait3A_413, %dma_wait3A_414] : memref<200x8x32x8x128xf32, #tpu.memory_space<hbm>> -> memref<1x8x1x8x128xf32, #tpu.memory_space<hbm>>
        %dma_wait3A_416 = tpu.memref_squeeze %dma_wait3A_415 : memref<1x8x1x8x128xf32, #tpu.memory_space<hbm>> -> memref<8x8x128xf32, #tpu.memory_space<hbm>>
        %dma_wait3A_417 = arith.constant 0 : i32
        %dma_wait3A_418 = arith.constant 0 : i32
        %dma_wait3A_419 = arith.constant 0 : i32
        %dma_wait3A_420 = tpu.memref_slice %arg7[%dma_wait3A_401, %dma_wait3A_417, %dma_wait3A_418, %dma_wait3A_419] : memref<2x8x8x129xf32, #tpu.memory_space<vmem>> -> memref<1x8x8x128xf32, #tpu.memory_space<vmem>>
        %dma_wait3A_421 = tpu.memref_squeeze %dma_wait3A_420 : memref<1x8x8x128xf32, #tpu.memory_space<vmem>> -> memref<8x8x128xf32, #tpu.memory_space<vmem>>
        tpu.wait_dma2 semaphore(%arg10 : memref<!tpu.dma_semaphore, #tpu.memory_space<semaphore_mem>>) src(%dma_wait3A_421 : memref<8x8x128xf32, #tpu.memory_space<vmem>>) dst(%dma_wait3A_416 : memref<8x8x128xf32, #tpu.memory_space<hbm>>)
      } else {
      }
      %parallel_loop3A = arith.constant 0 : i32
      %parallel_loop3A_316 = arith.constant 128 : i32
      %parallel_loop3A_317 = arith.constant 1 : i32
      %parallel_loop3A_318 = arith.constant 0 : i32
      %parallel_loop3A_319 = arith.constant 0 : i32
      scf.for %parallel_loop3A_399 = %parallel_loop3A to %parallel_loop3A_316 step %parallel_loop3A_317  : i32 {
        %parallel_loop3A_400 = arith.constant 0 : i32
        %parallel_loop3A_401 = vector.broadcast %parallel_loop3A_400 : i32 to vector<16xi32>
        %parallel_loop3A_402 = arith.muli %iota3A, %parallel_loop3A_401 : vector<16xi32>
        %parallel_loop3A_403 = vector.broadcast %parallel_loop3A_399 : i32 to vector<16xi32>
        %parallel_loop3A_404 = arith.addi %parallel_loop3A_402, %parallel_loop3A_403 : vector<16xi32>
        %parallel_loop3A_405 = arith.constant 0 : i32
        %parallel_loop3A_406 = arith.constant 0 : i32
        %parallel_loop3A_407 = tpu.memref_slice %arg6[%parallel_loop3A_318, %parallel_loop3A_405, %parallel_loop3A_406] : memref<2x128x128xf32, #tpu.memory_space<vmem>> -> memref<1x128x128xf32, #tpu.memory_space<vmem>>
        %parallel_loop3A_408 = tpu.memref_squeeze %parallel_loop3A_407 : memref<1x128x128xf32, #tpu.memory_space<vmem>> -> memref<128x128xf32, #tpu.memory_space<vmem>>
        %parallel_loop3A_409 = arith.index_cast %parallel_loop3A_399 : i32 to index
        %parallel_loop3A_410 = arith.constant 0 : index
        %parallel_loop3A_411 = tpu.vector_load %parallel_loop3A_408[%parallel_loop3A_409, %parallel_loop3A_410] {strides = array<i32>} : memref<128x128xf32, #tpu.memory_space<vmem>>, vector<16xf32>,
        %parallel_loop3A_412 = arith.constant 8.000000e+00 : f32
        %parallel_loop3A_413 = vector.broadcast %parallel_loop3A_412 : f32 to vector<16xf32>
        %parallel_loop3A_414 = arith.mulf %parallel_loop3A_411, %parallel_loop3A_413 : vector<16xf32>
        %parallel_loop3A_415 = arith.constant 0 : i32
        %parallel_loop3A_416 = arith.constant 0 : i32
        %parallel_loop3A_417 = arith.constant 0 : i32
        %parallel_loop3A_418 = tpu.memref_slice %arg7[%parallel_loop3A_319, %parallel_loop3A_415, %parallel_loop3A_416, %parallel_loop3A_417] : memref<2x8x8x129xf32, #tpu.memory_space<vmem>> -> memref<1x8x8x129xf32, #tpu.memory_space<vmem>>
        %parallel_loop3A_419 = tpu.memref_squeeze %parallel_loop3A_418 : memref<1x8x8x129xf32, #tpu.memory_space<vmem>> -> memref<8x8x129xf32, #tpu.memory_space<vmem>>
        tpu.vector_store_idx %parallel_loop3A_419[%select_n3A, %select_n3A_174, %parallel_loop3A_404], %parallel_loop3A_414 : memref<8x8x129xf32, #tpu.memory_space<vmem>>[vector<16xi32>, vector<16xi32>, vector<16xi32>], vector<16xf32>,
        %parallel_loop3A_420 = arith.constant 0 : i32
        %parallel_loop3A_421 = arith.constant 0 : i32
        %parallel_loop3A_422 = tpu.memref_slice %arg6[%parallel_loop3A_318, %parallel_loop3A_420, %parallel_loop3A_421] : memref<2x128x128xf32, #tpu.memory_space<vmem>> -> memref<1x128x128xf32, #tpu.memory_space<vmem>>
        %parallel_loop3A_423 = tpu.memref_squeeze %parallel_loop3A_422 : memref<1x128x128xf32, #tpu.memory_space<vmem>> -> memref<128x128xf32, #tpu.memory_space<vmem>>
        %parallel_loop3A_424 = arith.index_cast %parallel_loop3A_399 : i32 to index
        %parallel_loop3A_425 = arith.constant 16 : index
        %parallel_loop3A_426 = tpu.vector_load %parallel_loop3A_423[%parallel_loop3A_424, %parallel_loop3A_425] {strides = array<i32>} : memref<128x128xf32, #tpu.memory_space<vmem>>, vector<16xf32>,
        %parallel_loop3A_427 = arith.constant 8.000000e+00 : f32
        %parallel_loop3A_428 = vector.broadcast %parallel_loop3A_427 : f32 to vector<16xf32>
        %parallel_loop3A_429 = arith.mulf %parallel_loop3A_426, %parallel_loop3A_428 : vector<16xf32>
        %parallel_loop3A_430 = arith.constant 0 : i32
        %parallel_loop3A_431 = arith.constant 0 : i32
        %parallel_loop3A_432 = arith.constant 0 : i32
        %parallel_loop3A_433 = tpu.memref_slice %arg7[%parallel_loop3A_319, %parallel_loop3A_430, %parallel_loop3A_431, %parallel_loop3A_432] : memref<2x8x8x129xf32, #tpu.memory_space<vmem>> -> memref<1x8x8x129xf32, #tpu.memory_space<vmem>>
        %parallel_loop3A_434 = tpu.memref_squeeze %parallel_loop3A_433 : memref<1x8x8x129xf32, #tpu.memory_space<vmem>> -> memref<8x8x129xf32, #tpu.memory_space<vmem>>
        tpu.vector_store_idx %parallel_loop3A_434[%select_n3A_83, %select_n3A_199, %parallel_loop3A_404], %parallel_loop3A_429 : memref<8x8x129xf32, #tpu.memory_space<vmem>>[vector<16xi32>, vector<16xi32>, vector<16xi32>], vector<16xf32>,
        %parallel_loop3A_435 = arith.constant 0 : i32
        %parallel_loop3A_436 = arith.constant 0 : i32
        %parallel_loop3A_437 = tpu.memref_slice %arg6[%parallel_loop3A_318, %parallel_loop3A_435, %parallel_loop3A_436] : memref<2x128x128xf32, #tpu.memory_space<vmem>> -> memref<1x128x128xf32, #tpu.memory_space<vmem>>
        %parallel_loop3A_438 = tpu.memref_squeeze %parallel_loop3A_437 : memref<1x128x128xf32, #tpu.memory_space<vmem>> -> memref<128x128xf32, #tpu.memory_space<vmem>>
        %parallel_loop3A_439 = arith.index_cast %parallel_loop3A_399 : i32 to index
        %parallel_loop3A_440 = arith.constant 32 : index
        %parallel_loop3A_441 = tpu.vector_load %parallel_loop3A_438[%parallel_loop3A_439, %parallel_loop3A_440] {strides = array<i32>} : memref<128x128xf32, #tpu.memory_space<vmem>>, vector<16xf32>,
        %parallel_loop3A_442 = arith.constant 8.000000e+00 : f32
        %parallel_loop3A_443 = vector.broadcast %parallel_loop3A_442 : f32 to vector<16xf32>
        %parallel_loop3A_444 = arith.mulf %parallel_loop3A_441, %parallel_loop3A_443 : vector<16xf32>
        %parallel_loop3A_445 = arith.constant 0 : i32
        %parallel_loop3A_446 = arith.constant 0 : i32
        %parallel_loop3A_447 = arith.constant 0 : i32
        %parallel_loop3A_448 = tpu.memref_slice %arg7[%parallel_loop3A_319, %parallel_loop3A_445, %parallel_loop3A_446, %parallel_loop3A_447] : memref<2x8x8x129xf32, #tpu.memory_space<vmem>> -> memref<1x8x8x129xf32, #tpu.memory_space<vmem>>
        %parallel_loop3A_449 = tpu.memref_squeeze %parallel_loop3A_448 : memref<1x8x8x129xf32, #tpu.memory_space<vmem>> -> memref<8x8x129xf32, #tpu.memory_space<vmem>>
        tpu.vector_store_idx %parallel_loop3A_449[%select_n3A_117, %select_n3A_224, %parallel_loop3A_404], %parallel_loop3A_444 : memref<8x8x129xf32, #tpu.memory_space<vmem>>[vector<16xi32>, vector<16xi32>, vector<16xi32>], vector<16xf32>,
        %parallel_loop3A_450 = arith.constant 0 : i32
        %parallel_loop3A_451 = arith.constant 0 : i32
        %parallel_loop3A_452 = tpu.memref_slice %arg6[%parallel_loop3A_318, %parallel_loop3A_450, %parallel_loop3A_451] : memref<2x128x128xf32, #tpu.memory_space<vmem>> -> memref<1x128x128xf32, #tpu.memory_space<vmem>>
        %parallel_loop3A_453 = tpu.memref_squeeze %parallel_loop3A_452 : memref<1x128x128xf32, #tpu.memory_space<vmem>> -> memref<128x128xf32, #tpu.memory_space<vmem>>
        %parallel_loop3A_454 = arith.index_cast %parallel_loop3A_399 : i32 to index
        %parallel_loop3A_455 = arith.constant 48 : index
        %parallel_loop3A_456 = tpu.vector_load %parallel_loop3A_453[%parallel_loop3A_454, %parallel_loop3A_455] {strides = array<i32>} : memref<128x128xf32, #tpu.memory_space<vmem>>, vector<16xf32>,
        %parallel_loop3A_457 = arith.constant 8.000000e+00 : f32
        %parallel_loop3A_458 = vector.broadcast %parallel_loop3A_457 : f32 to vector<16xf32>
        %parallel_loop3A_459 = arith.mulf %parallel_loop3A_456, %parallel_loop3A_458 : vector<16xf32>
        %parallel_loop3A_460 = arith.constant 0 : i32
        %parallel_loop3A_461 = arith.constant 0 : i32
        %parallel_loop3A_462 = arith.constant 0 : i32
        %parallel_loop3A_463 = tpu.memref_slice %arg7[%parallel_loop3A_319, %parallel_loop3A_460, %parallel_loop3A_461, %parallel_loop3A_462] : memref<2x8x8x129xf32, #tpu.memory_space<vmem>> -> memref<1x8x8x129xf32, #tpu.memory_space<vmem>>
        %parallel_loop3A_464 = tpu.memref_squeeze %parallel_loop3A_463 : memref<1x8x8x129xf32, #tpu.memory_space<vmem>> -> memref<8x8x129xf32, #tpu.memory_space<vmem>>
        tpu.vector_store_idx %parallel_loop3A_464[%select_n3A_151, %select_n3A_249, %parallel_loop3A_404], %parallel_loop3A_459 : memref<8x8x129xf32, #tpu.memory_space<vmem>>[vector<16xi32>, vector<16xi32>, vector<16xi32>], vector<16xf32>,
      } {sc.loop_unroll_factor = 4 : i64, sc.parallel_access}
      %add3A_320 = arith.constant 2 : i32
      %add3A_321 = arith.addi %add3A_302, %add3A_320 : i32
      %lt3A_322 = arith.constant 200 : i32
      %lt3A_323 = arith.cmpi slt, %add3A_321, %lt3A_322 : i32
      %convert_element_type3A_324 = arith.extui %lt3A_323 : i1 to i32
      %cond3A_325 = arith.constant 0 : i32
      %cond3A_326 = arith.cmpi ne, %convert_element_type3A_324, %cond3A_325 : i32
      scf.if %cond3A_326 {
        %add3A_399 = arith.constant 2 : i32
        %add3A_400 = arith.addi %add3A_302, %add3A_399 : i32
        %dma_start3A_401 = arith.constant 0 : i32
        %dma_start3A_402 = arith.constant 0 : i32
        %dma_start3A_403 = arith.constant 0 : i32
        %dma_start3A_404 = tpu.memref_slice %arg6[%dma_start3A_401, %dma_start3A_402, %dma_start3A_403] : memref<2x128x128xf32, #tpu.memory_space<vmem>> -> memref<1x128x128xf32, #tpu.memory_space<vmem>>
        %dma_start3A_405 = tpu.memref_squeeze %dma_start3A_404 : memref<1x128x128xf32, #tpu.memory_space<vmem>> -> memref<128x128xf32, #tpu.memory_space<vmem>>
        %dma_start3A_406 = arith.constant 0 : i32
        %dma_start3A_407 = tpu.memref_slice %arg5[%add3A_400, %dma_start3A_406] : memref<200x128xi32, #tpu.memory_space<vmem>> -> memref<1x128xi32, #tpu.memory_space<vmem>>
        %dma_start3A_408 = tpu.memref_squeeze %dma_start3A_407 : memref<1x128xi32, #tpu.memory_space<vmem>> -> memref<128xi32, #tpu.memory_space<vmem>>
        %dma_start3A_409 = arith.constant 0 : i32
        %dma_start3A_410 = arith.constant 0 : i32
        %dma_start3A_411 = tpu.memref_slice %arg2[%dma_start3A_409, %dma_start3A_410] : memref<1000000x128xf32, #tpu.memory_space<hbm>> -> memref<1000000x128xf32, #tpu.memory_space<hbm>>
        tpu.enqueue_indirect_dma source(%dma_start3A_411 : memref<1000000x128xf32, #tpu.memory_space<hbm>>) target(%dma_start3A_405 : memref<128x128xf32, #tpu.memory_space<vmem>>) offsets(%dma_start3A_408 : memref<128xi32, #tpu.memory_space<vmem>>) semaphore(%arg8 : memref<!tpu.dma_semaphore, #tpu.memory_space<semaphore_mem>>)
      } else {
      }
      %dma_start3A_327 = arith.constant 0 : i32
      %dma_start3A_328 = arith.constant 0 : i32
      %dma_start3A_329 = arith.constant 0 : i32
      %dma_start3A_330 = arith.constant 0 : i32
      %dma_start3A_331 = tpu.memref_slice %arg7[%dma_start3A_327, %dma_start3A_328, %dma_start3A_329, %dma_start3A_330] : memref<2x8x8x129xf32, #tpu.memory_space<vmem>> -> memref<1x8x8x128xf32, #tpu.memory_space<vmem>>
      %dma_start3A_332 = tpu.memref_squeeze %dma_start3A_331 : memref<1x8x8x128xf32, #tpu.memory_space<vmem>> -> memref<8x8x128xf32, #tpu.memory_space<vmem>>
      %dma_start3A_333 = arith.constant 0 : i32
      %dma_start3A_334 = arith.constant 0 : i32
      %dma_start3A_335 = arith.constant 0 : i32
      %dma_start3A_336 = tpu.memref_slice %arg4[%add3A_302, %dma_start3A_333, %add3A, %dma_start3A_334, %dma_start3A_335] : memref<200x8x32x8x128xf32, #tpu.memory_space<hbm>> -> memref<1x8x1x8x128xf32, #tpu.memory_space<hbm>>
      %dma_start3A_337 = tpu.memref_squeeze %dma_start3A_336 : memref<1x8x1x8x128xf32, #tpu.memory_space<hbm>> -> memref<8x8x128xf32, #tpu.memory_space<hbm>>
      %dma_start3A_338 = arith.constant 0 : i32
      %dma_start3A_339 = arith.constant 0 : i32
      %dma_start3A_340 = arith.constant 0 : i32
      %dma_start3A_341 = tpu.memref_slice %arg4[%add3A_302, %dma_start3A_338, %add3A, %dma_start3A_339, %dma_start3A_340] : memref<200x8x32x8x128xf32, #tpu.memory_space<hbm>> -> memref<1x8x1x8x128xf32, #tpu.memory_space<hbm>>
      %dma_start3A_342 = tpu.memref_squeeze %dma_start3A_341 : memref<1x8x1x8x128xf32, #tpu.memory_space<hbm>> -> memref<8x8x128xf32, #tpu.memory_space<hbm>>
      %dma_start3A_343 = arith.constant 0 : i32
      %dma_start3A_344 = arith.constant 0 : i32
      %dma_start3A_345 = arith.constant 0 : i32
      %dma_start3A_346 = tpu.memref_slice %arg7[%dma_start3A_327, %dma_start3A_343, %dma_start3A_344, %dma_start3A_345] : memref<2x8x8x129xf32, #tpu.memory_space<vmem>> -> memref<1x8x8x128xf32, #tpu.memory_space<vmem>>
      %dma_start3A_347 = tpu.memref_squeeze %dma_start3A_346 : memref<1x8x8x128xf32, #tpu.memory_space<vmem>> -> memref<8x8x128xf32, #tpu.memory_space<vmem>>
      tpu.enqueue_dma source(%dma_start3A_347 : memref<8x8x128xf32, #tpu.memory_space<vmem>>) target(%dma_start3A_342 : memref<8x8x128xf32, #tpu.memory_space<hbm>>) target_semaphore(%arg10 : memref<!tpu.dma_semaphore, #tpu.memory_space<semaphore_mem>>)
      %add3A_348 = arith.constant 1 : i32
      %add3A_349 = arith.addi %mul3A_300, %add3A_348 : i32
      %dma_wait3A_350 = arith.constant 1 : i32
      %dma_wait3A_351 = arith.constant 0 : i32
      %dma_wait3A_352 = arith.constant 0 : i32
      %dma_wait3A_353 = tpu.memref_slice %arg6[%dma_wait3A_350, %dma_wait3A_351, %dma_wait3A_352] : memref<2x128x128xf32, #tpu.memory_space<vmem>> -> memref<1x128x128xf32, #tpu.memory_space<vmem>>
      %dma_wait3A_354 = tpu.memref_squeeze %dma_wait3A_353 : memref<1x128x128xf32, #tpu.memory_space<vmem>> -> memref<128x128xf32, #tpu.memory_space<vmem>>
      %dma_wait3A_355 = arith.constant 0 : i32
      %dma_wait3A_356 = tpu.memref_slice %arg5[%add3A_349, %dma_wait3A_355] : memref<200x128xi32, #tpu.memory_space<vmem>> -> memref<1x128xi32, #tpu.memory_space<vmem>>
      %dma_wait3A_357 = tpu.memref_squeeze %dma_wait3A_356 : memref<1x128xi32, #tpu.memory_space<vmem>> -> memref<128xi32, #tpu.memory_space<vmem>>
      %dma_wait3A_358 = arith.constant 0 : i32
      %dma_wait3A_359 = arith.constant 0 : i32
      %dma_wait3A_360 = tpu.memref_slice %arg2[%dma_wait3A_358, %dma_wait3A_359] : memref<1000000x128xf32, #tpu.memory_space<hbm>> -> memref<1000000x128xf32, #tpu.memory_space<hbm>>
      tpu.wait_indirect_dma semaphore(%arg9 : memref<!tpu.dma_semaphore, #tpu.memory_space<semaphore_mem>>) src(%dma_wait3A_360 : memref<1000000x128xf32, #tpu.memory_space<hbm>>) dst(%dma_wait3A_354 : memref<128x128xf32, #tpu.memory_space<vmem>>)
      %ge3A_361 = arith.constant 2 : i32
      %ge3A_362 = arith.cmpi sge, %add3A_349, %ge3A_361 : i32
      %convert_element_type3A_363 = arith.extui %ge3A_362 : i1 to i32
      %cond3A_364 = arith.constant 0 : i32
      %cond3A_365 = arith.cmpi ne, %convert_element_type3A_363, %cond3A_364 : i32
      scf.if %cond3A_365 {
        %sub3A_399 = arith.constant 2 : i32
        %sub3A_400 = arith.subi %add3A_349, %sub3A_399 : i32
        %dma_wait3A_401 = arith.constant 1 : i32
        %dma_wait3A_402 = arith.constant 0 : i32
        %dma_wait3A_403 = arith.constant 0 : i32
        %dma_wait3A_404 = arith.constant 0 : i32
        %dma_wait3A_405 = tpu.memref_slice %arg7[%dma_wait3A_401, %dma_wait3A_402, %dma_wait3A_403, %dma_wait3A_404] : memref<2x8x8x129xf32, #tpu.memory_space<vmem>> -> memref<1x8x8x128xf32, #tpu.memory_space<vmem>>
        %dma_wait3A_406 = tpu.memref_squeeze %dma_wait3A_405 : memref<1x8x8x128xf32, #tpu.memory_space<vmem>> -> memref<8x8x128xf32, #tpu.memory_space<vmem>>
        %dma_wait3A_407 = arith.constant 0 : i32
        %dma_wait3A_408 = arith.constant 0 : i32
        %dma_wait3A_409 = arith.constant 0 : i32
        %dma_wait3A_410 = tpu.memref_slice %arg4[%sub3A_400, %dma_wait3A_407, %add3A, %dma_wait3A_408, %dma_wait3A_409] : memref<200x8x32x8x128xf32, #tpu.memory_space<hbm>> -> memref<1x8x1x8x128xf32, #tpu.memory_space<hbm>>
        %dma_wait3A_411 = tpu.memref_squeeze %dma_wait3A_410 : memref<1x8x1x8x128xf32, #tpu.memory_space<hbm>> -> memref<8x8x128xf32, #tpu.memory_space<hbm>>
        %dma_wait3A_412 = arith.constant 0 : i32
        %dma_wait3A_413 = arith.constant 0 : i32
        %dma_wait3A_414 = arith.constant 0 : i32
        %dma_wait3A_415 = tpu.memref_slice %arg4[%sub3A_400, %dma_wait3A_412, %add3A, %dma_wait3A_413, %dma_wait3A_414] : memref<200x8x32x8x128xf32, #tpu.memory_space<hbm>> -> memref<1x8x1x8x128xf32, #tpu.memory_space<hbm>>
        %dma_wait3A_416 = tpu.memref_squeeze %dma_wait3A_415 : memref<1x8x1x8x128xf32, #tpu.memory_space<hbm>> -> memref<8x8x128xf32, #tpu.memory_space<hbm>>
        %dma_wait3A_417 = arith.constant 0 : i32
        %dma_wait3A_418 = arith.constant 0 : i32
        %dma_wait3A_419 = arith.constant 0 : i32
        %dma_wait3A_420 = tpu.memref_slice %arg7[%dma_wait3A_401, %dma_wait3A_417, %dma_wait3A_418, %dma_wait3A_419] : memref<2x8x8x129xf32, #tpu.memory_space<vmem>> -> memref<1x8x8x128xf32, #tpu.memory_space<vmem>>
        %dma_wait3A_421 = tpu.memref_squeeze %dma_wait3A_420 : memref<1x8x8x128xf32, #tpu.memory_space<vmem>> -> memref<8x8x128xf32, #tpu.memory_space<vmem>>
        tpu.wait_dma2 semaphore(%arg11 : memref<!tpu.dma_semaphore, #tpu.memory_space<semaphore_mem>>) src(%dma_wait3A_421 : memref<8x8x128xf32, #tpu.memory_space<vmem>>) dst(%dma_wait3A_416 : memref<8x8x128xf32, #tpu.memory_space<hbm>>)
      } else {
      }
      %parallel_loop3A_366 = arith.constant 0 : i32
      %parallel_loop3A_367 = arith.constant 128 : i32
      %parallel_loop3A_368 = arith.constant 1 : i32
      %parallel_loop3A_369 = arith.constant 1 : i32
      %parallel_loop3A_370 = arith.constant 1 : i32
      scf.for %parallel_loop3A_399 = %parallel_loop3A_366 to %parallel_loop3A_367 step %parallel_loop3A_368  : i32 {
        %parallel_loop3A_400 = arith.constant 0 : i32
        %parallel_loop3A_401 = vector.broadcast %parallel_loop3A_400 : i32 to vector<16xi32>
        %parallel_loop3A_402 = arith.muli %iota3A, %parallel_loop3A_401 : vector<16xi32>
        %parallel_loop3A_403 = vector.broadcast %parallel_loop3A_399 : i32 to vector<16xi32>
        %parallel_loop3A_404 = arith.addi %parallel_loop3A_402, %parallel_loop3A_403 : vector<16xi32>
        %parallel_loop3A_405 = arith.constant 0 : i32
        %parallel_loop3A_406 = arith.constant 0 : i32
        %parallel_loop3A_407 = tpu.memref_slice %arg6[%parallel_loop3A_369, %parallel_loop3A_405, %parallel_loop3A_406] : memref<2x128x128xf32, #tpu.memory_space<vmem>> -> memref<1x128x128xf32, #tpu.memory_space<vmem>>
        %parallel_loop3A_408 = tpu.memref_squeeze %parallel_loop3A_407 : memref<1x128x128xf32, #tpu.memory_space<vmem>> -> memref<128x128xf32, #tpu.memory_space<vmem>>
        %parallel_loop3A_409 = arith.index_cast %parallel_loop3A_399 : i32 to index
        %parallel_loop3A_410 = arith.constant 0 : index
        %parallel_loop3A_411 = tpu.vector_load %parallel_loop3A_408[%parallel_loop3A_409, %parallel_loop3A_410] {strides = array<i32>} : memref<128x128xf32, #tpu.memory_space<vmem>>, vector<16xf32>,
        %parallel_loop3A_412 = arith.constant 8.000000e+00 : f32
        %parallel_loop3A_413 = vector.broadcast %parallel_loop3A_412 : f32 to vector<16xf32>
        %parallel_loop3A_414 = arith.mulf %parallel_loop3A_411, %parallel_loop3A_413 : vector<16xf32>
        %parallel_loop3A_415 = arith.constant 0 : i32
        %parallel_loop3A_416 = arith.constant 0 : i32
        %parallel_loop3A_417 = arith.constant 0 : i32
        %parallel_loop3A_418 = tpu.memref_slice %arg7[%parallel_loop3A_370, %parallel_loop3A_415, %parallel_loop3A_416, %parallel_loop3A_417] : memref<2x8x8x129xf32, #tpu.memory_space<vmem>> -> memref<1x8x8x129xf32, #tpu.memory_space<vmem>>
        %parallel_loop3A_419 = tpu.memref_squeeze %parallel_loop3A_418 : memref<1x8x8x129xf32, #tpu.memory_space<vmem>> -> memref<8x8x129xf32, #tpu.memory_space<vmem>>
        tpu.vector_store_idx %parallel_loop3A_419[%select_n3A, %select_n3A_174, %parallel_loop3A_404], %parallel_loop3A_414 : memref<8x8x129xf32, #tpu.memory_space<vmem>>[vector<16xi32>, vector<16xi32>, vector<16xi32>], vector<16xf32>,
        %parallel_loop3A_420 = arith.constant 0 : i32
        %parallel_loop3A_421 = arith.constant 0 : i32
        %parallel_loop3A_422 = tpu.memref_slice %arg6[%parallel_loop3A_369, %parallel_loop3A_420, %parallel_loop3A_421] : memref<2x128x128xf32, #tpu.memory_space<vmem>> -> memref<1x128x128xf32, #tpu.memory_space<vmem>>
        %parallel_loop3A_423 = tpu.memref_squeeze %parallel_loop3A_422 : memref<1x128x128xf32, #tpu.memory_space<vmem>> -> memref<128x128xf32, #tpu.memory_space<vmem>>
        %parallel_loop3A_424 = arith.index_cast %parallel_loop3A_399 : i32 to index
        %parallel_loop3A_425 = arith.constant 16 : index
        %parallel_loop3A_426 = tpu.vector_load %parallel_loop3A_423[%parallel_loop3A_424, %parallel_loop3A_425] {strides = array<i32>} : memref<128x128xf32, #tpu.memory_space<vmem>>, vector<16xf32>,
        %parallel_loop3A_427 = arith.constant 8.000000e+00 : f32
        %parallel_loop3A_428 = vector.broadcast %parallel_loop3A_427 : f32 to vector<16xf32>
        %parallel_loop3A_429 = arith.mulf %parallel_loop3A_426, %parallel_loop3A_428 : vector<16xf32>
        %parallel_loop3A_430 = arith.constant 0 : i32
        %parallel_loop3A_431 = arith.constant 0 : i32
        %parallel_loop3A_432 = arith.constant 0 : i32
        %parallel_loop3A_433 = tpu.memref_slice %arg7[%parallel_loop3A_370, %parallel_loop3A_430, %parallel_loop3A_431, %parallel_loop3A_432] : memref<2x8x8x129xf32, #tpu.memory_space<vmem>> -> memref<1x8x8x129xf32, #tpu.memory_space<vmem>>
        %parallel_loop3A_434 = tpu.memref_squeeze %parallel_loop3A_433 : memref<1x8x8x129xf32, #tpu.memory_space<vmem>> -> memref<8x8x129xf32, #tpu.memory_space<vmem>>
        tpu.vector_store_idx %parallel_loop3A_434[%select_n3A_83, %select_n3A_199, %parallel_loop3A_404], %parallel_loop3A_429 : memref<8x8x129xf32, #tpu.memory_space<vmem>>[vector<16xi32>, vector<16xi32>, vector<16xi32>], vector<16xf32>,
        %parallel_loop3A_435 = arith.constant 0 : i32
        %parallel_loop3A_436 = arith.constant 0 : i32
        %parallel_loop3A_437 = tpu.memref_slice %arg6[%parallel_loop3A_369, %parallel_loop3A_435, %parallel_loop3A_436] : memref<2x128x128xf32, #tpu.memory_space<vmem>> -> memref<1x128x128xf32, #tpu.memory_space<vmem>>
        %parallel_loop3A_438 = tpu.memref_squeeze %parallel_loop3A_437 : memref<1x128x128xf32, #tpu.memory_space<vmem>> -> memref<128x128xf32, #tpu.memory_space<vmem>>
        %parallel_loop3A_439 = arith.index_cast %parallel_loop3A_399 : i32 to index
        %parallel_loop3A_440 = arith.constant 32 : index
        %parallel_loop3A_441 = tpu.vector_load %parallel_loop3A_438[%parallel_loop3A_439, %parallel_loop3A_440] {strides = array<i32>} : memref<128x128xf32, #tpu.memory_space<vmem>>, vector<16xf32>,
        %parallel_loop3A_442 = arith.constant 8.000000e+00 : f32
        %parallel_loop3A_443 = vector.broadcast %parallel_loop3A_442 : f32 to vector<16xf32>
        %parallel_loop3A_444 = arith.mulf %parallel_loop3A_441, %parallel_loop3A_443 : vector<16xf32>
        %parallel_loop3A_445 = arith.constant 0 : i32
        %parallel_loop3A_446 = arith.constant 0 : i32
        %parallel_loop3A_447 = arith.constant 0 : i32
        %parallel_loop3A_448 = tpu.memref_slice %arg7[%parallel_loop3A_370, %parallel_loop3A_445, %parallel_loop3A_446, %parallel_loop3A_447] : memref<2x8x8x129xf32, #tpu.memory_space<vmem>> -> memref<1x8x8x129xf32, #tpu.memory_space<vmem>>
        %parallel_loop3A_449 = tpu.memref_squeeze %parallel_loop3A_448 : memref<1x8x8x129xf32, #tpu.memory_space<vmem>> -> memref<8x8x129xf32, #tpu.memory_space<vmem>>
        tpu.vector_store_idx %parallel_loop3A_449[%select_n3A_117, %select_n3A_224, %parallel_loop3A_404], %parallel_loop3A_444 : memref<8x8x129xf32, #tpu.memory_space<vmem>>[vector<16xi32>, vector<16xi32>, vector<16xi32>], vector<16xf32>,
        %parallel_loop3A_450 = arith.constant 0 : i32
        %parallel_loop3A_451 = arith.constant 0 : i32
        %parallel_loop3A_452 = tpu.memref_slice %arg6[%parallel_loop3A_369, %parallel_loop3A_450, %parallel_loop3A_451] : memref<2x128x128xf32, #tpu.memory_space<vmem>> -> memref<1x128x128xf32, #tpu.memory_space<vmem>>
        %parallel_loop3A_453 = tpu.memref_squeeze %parallel_loop3A_452 : memref<1x128x128xf32, #tpu.memory_space<vmem>> -> memref<128x128xf32, #tpu.memory_space<vmem>>
        %parallel_loop3A_454 = arith.index_cast %parallel_loop3A_399 : i32 to index
        %parallel_loop3A_455 = arith.constant 48 : index
        %parallel_loop3A_456 = tpu.vector_load %parallel_loop3A_453[%parallel_loop3A_454, %parallel_loop3A_455] {strides = array<i32>} : memref<128x128xf32, #tpu.memory_space<vmem>>, vector<16xf32>,
        %parallel_loop3A_457 = arith.constant 8.000000e+00 : f32
        %parallel_loop3A_458 = vector.broadcast %parallel_loop3A_457 : f32 to vector<16xf32>
        %parallel_loop3A_459 = arith.mulf %parallel_loop3A_456, %parallel_loop3A_458 : vector<16xf32>
        %parallel_loop3A_460 = arith.constant 0 : i32
        %parallel_loop3A_461 = arith.constant 0 : i32
        %parallel_loop3A_462 = arith.constant 0 : i32
        %parallel_loop3A_463 = tpu.memref_slice %arg7[%parallel_loop3A_370, %parallel_loop3A_460, %parallel_loop3A_461, %parallel_loop3A_462] : memref<2x8x8x129xf32, #tpu.memory_space<vmem>> -> memref<1x8x8x129xf32, #tpu.memory_space<vmem>>
        %parallel_loop3A_464 = tpu.memref_squeeze %parallel_loop3A_463 : memref<1x8x8x129xf32, #tpu.memory_space<vmem>> -> memref<8x8x129xf32, #tpu.memory_space<vmem>>
        tpu.vector_store_idx %parallel_loop3A_464[%select_n3A_151, %select_n3A_249, %parallel_loop3A_404], %parallel_loop3A_459 : memref<8x8x129xf32, #tpu.memory_space<vmem>>[vector<16xi32>, vector<16xi32>, vector<16xi32>], vector<16xf32>,
      } {sc.loop_unroll_factor = 4 : i64, sc.parallel_access}
      %add3A_371 = arith.constant 2 : i32
      %add3A_372 = arith.addi %add3A_349, %add3A_371 : i32
      %lt3A_373 = arith.constant 200 : i32
      %lt3A_374 = arith.cmpi slt, %add3A_372, %lt3A_373 : i32
      %convert_element_type3A_375 = arith.extui %lt3A_374 : i1 to i32
      %cond3A_376 = arith.constant 0 : i32
      %cond3A_377 = arith.cmpi ne, %convert_element_type3A_375, %cond3A_376 : i32
      scf.if %cond3A_377 {
        %add3A_399 = arith.constant 2 : i32
        %add3A_400 = arith.addi %add3A_349, %add3A_399 : i32
        %dma_start3A_401 = arith.constant 1 : i32
        %dma_start3A_402 = arith.constant 0 : i32
        %dma_start3A_403 = arith.constant 0 : i32
        %dma_start3A_404 = tpu.memref_slice %arg6[%dma_start3A_401, %dma_start3A_402, %dma_start3A_403] : memref<2x128x128xf32, #tpu.memory_space<vmem>> -> memref<1x128x128xf32, #tpu.memory_space<vmem>>
        %dma_start3A_405 = tpu.memref_squeeze %dma_start3A_404 : memref<1x128x128xf32, #tpu.memory_space<vmem>> -> memref<128x128xf32, #tpu.memory_space<vmem>>
        %dma_start3A_406 = arith.constant 0 : i32
        %dma_start3A_407 = tpu.memref_slice %arg5[%add3A_400, %dma_start3A_406] : memref<200x128xi32, #tpu.memory_space<vmem>> -> memref<1x128xi32, #tpu.memory_space<vmem>>
        %dma_start3A_408 = tpu.memref_squeeze %dma_start3A_407 : memref<1x128xi32, #tpu.memory_space<vmem>> -> memref<128xi32, #tpu.memory_space<vmem>>
        %dma_start3A_409 = arith.constant 0 : i32
        %dma_start3A_410 = arith.constant 0 : i32
        %dma_start3A_411 = tpu.memref_slice %arg2[%dma_start3A_409, %dma_start3A_410] : memref<1000000x128xf32, #tpu.memory_space<hbm>> -> memref<1000000x128xf32, #tpu.memory_space<hbm>>
        tpu.enqueue_indirect_dma source(%dma_start3A_411 : memref<1000000x128xf32, #tpu.memory_space<hbm>>) target(%dma_start3A_405 : memref<128x128xf32, #tpu.memory_space<vmem>>) offsets(%dma_start3A_408 : memref<128xi32, #tpu.memory_space<vmem>>) semaphore(%arg9 : memref<!tpu.dma_semaphore, #tpu.memory_space<semaphore_mem>>)
      } else {
      }
      %dma_start3A_378 = arith.constant 1 : i32
      %dma_start3A_379 = arith.constant 0 : i32
      %dma_start3A_380 = arith.constant 0 : i32
      %dma_start3A_381 = arith.constant 0 : i32
      %dma_start3A_382 = tpu.memref_slice %arg7[%dma_start3A_378, %dma_start3A_379, %dma_start3A_380, %dma_start3A_381] : memref<2x8x8x129xf32, #tpu.memory_space<vmem>> -> memref<1x8x8x128xf32, #tpu.memory_space<vmem>>
      %dma_start3A_383 = tpu.memref_squeeze %dma_start3A_382 : memref<1x8x8x128xf32, #tpu.memory_space<vmem>> -> memref<8x8x128xf32, #tpu.memory_space<vmem>>
      %dma_start3A_384 = arith.constant 0 : i32
      %dma_start3A_385 = arith.constant 0 : i32
      %dma_start3A_386 = arith.constant 0 : i32
      %dma_start3A_387 = tpu.memref_slice %arg4[%add3A_349, %dma_start3A_384, %add3A, %dma_start3A_385, %dma_start3A_386] : memref<200x8x32x8x128xf32, #tpu.memory_space<hbm>> -> memref<1x8x1x8x128xf32, #tpu.memory_space<hbm>>
      %dma_start3A_388 = tpu.memref_squeeze %dma_start3A_387 : memref<1x8x1x8x128xf32, #tpu.memory_space<hbm>> -> memref<8x8x128xf32, #tpu.memory_space<hbm>>
      %dma_start3A_389 = arith.constant 0 : i32
      %dma_start3A_390 = arith.constant 0 : i32
      %dma_start3A_391 = arith.constant 0 : i32
      %dma_start3A_392 = tpu.memref_slice %arg4[%add3A_349, %dma_start3A_389, %add3A, %dma_start3A_390, %dma_start3A_391] : memref<200x8x32x8x128xf32, #tpu.memory_space<hbm>> -> memref<1x8x1x8x128xf32, #tpu.memory_space<hbm>>
      %dma_start3A_393 = tpu.memref_squeeze %dma_start3A_392 : memref<1x8x1x8x128xf32, #tpu.memory_space<hbm>> -> memref<8x8x128xf32, #tpu.memory_space<hbm>>
      %dma_start3A_394 = arith.constant 0 : i32
      %dma_start3A_395 = arith.constant 0 : i32
      %dma_start3A_396 = arith.constant 0 : i32
      %dma_start3A_397 = tpu.memref_slice %arg7[%dma_start3A_378, %dma_start3A_394, %dma_start3A_395, %dma_start3A_396] : memref<2x8x8x129xf32, #tpu.memory_space<vmem>> -> memref<1x8x8x128xf32, #tpu.memory_space<vmem>>
      %dma_start3A_398 = tpu.memref_squeeze %dma_start3A_397 : memref<1x8x8x128xf32, #tpu.memory_space<vmem>> -> memref<8x8x128xf32, #tpu.memory_space<vmem>>
      tpu.enqueue_dma source(%dma_start3A_398 : memref<8x8x128xf32, #tpu.memory_space<vmem>>) target(%dma_start3A_393 : memref<8x8x128xf32, #tpu.memory_space<hbm>>) target_semaphore(%arg11 : memref<!tpu.dma_semaphore, #tpu.memory_space<semaphore_mem>>)
    }
    %scan3A_254 = arith.constant 100 : i32
    %dma_wait3A = arith.constant 0 : i32
    %dma_wait3A_255 = arith.constant 198 : i32
    %dma_wait3A_256 = arith.constant 0 : i32
    %dma_wait3A_257 = arith.constant 0 : i32
    %dma_wait3A_258 = arith.constant 0 : i32
    %dma_wait3A_259 = tpu.memref_slice %arg7[%dma_wait3A, %dma_wait3A_256, %dma_wait3A_257, %dma_wait3A_258] : memref<2x8x8x129xf32, #tpu.memory_space<vmem>> -> memref<1x8x8x128xf32, #tpu.memory_space<vmem>>
    %dma_wait3A_260 = tpu.memref_squeeze %dma_wait3A_259 : memref<1x8x8x128xf32, #tpu.memory_space<vmem>> -> memref<8x8x128xf32, #tpu.memory_space<vmem>>
    %dma_wait3A_261 = arith.constant 0 : i32
    %dma_wait3A_262 = arith.constant 0 : i32
    %dma_wait3A_263 = arith.constant 0 : i32
    %dma_wait3A_264 = tpu.memref_slice %arg4[%dma_wait3A_255, %dma_wait3A_261, %add3A, %dma_wait3A_262, %dma_wait3A_263] : memref<200x8x32x8x128xf32, #tpu.memory_space<hbm>> -> memref<1x8x1x8x128xf32, #tpu.memory_space<hbm>>
    %dma_wait3A_265 = tpu.memref_squeeze %dma_wait3A_264 : memref<1x8x1x8x128xf32, #tpu.memory_space<hbm>> -> memref<8x8x128xf32, #tpu.memory_space<hbm>>
    %dma_wait3A_266 = arith.constant 0 : i32
    %dma_wait3A_267 = arith.constant 0 : i32
    %dma_wait3A_268 = arith.constant 0 : i32
    %dma_wait3A_269 = tpu.memref_slice %arg4[%dma_wait3A_255, %dma_wait3A_266, %add3A, %dma_wait3A_267, %dma_wait3A_268] : memref<200x8x32x8x128xf32, #tpu.memory_space<hbm>> -> memref<1x8x1x8x128xf32, #tpu.memory_space<hbm>>
    %dma_wait3A_270 = tpu.memref_squeeze %dma_wait3A_269 : memref<1x8x1x8x128xf32, #tpu.memory_space<hbm>> -> memref<8x8x128xf32, #tpu.memory_space<hbm>>
    %dma_wait3A_271 = arith.constant 0 : i32
    %dma_wait3A_272 = arith.constant 0 : i32
    %dma_wait3A_273 = arith.constant 0 : i32
    %dma_wait3A_274 = tpu.memref_slice %arg7[%dma_wait3A, %dma_wait3A_271, %dma_wait3A_272, %dma_wait3A_273] : memref<2x8x8x129xf32, #tpu.memory_space<vmem>> -> memref<1x8x8x128xf32, #tpu.memory_space<vmem>>
    %dma_wait3A_275 = tpu.memref_squeeze %dma_wait3A_274 : memref<1x8x8x128xf32, #tpu.memory_space<vmem>> -> memref<8x8x128xf32, #tpu.memory_space<vmem>>
    tpu.wait_dma2 semaphore(%arg10 : memref<!tpu.dma_semaphore, #tpu.memory_space<semaphore_mem>>) src(%dma_wait3A_275 : memref<8x8x128xf32, #tpu.memory_space<vmem>>) dst(%dma_wait3A_270 : memref<8x8x128xf32, #tpu.memory_space<hbm>>)
    %dma_wait3A_276 = arith.constant 1 : i32
    %dma_wait3A_277 = arith.constant 199 : i32
    %dma_wait3A_278 = arith.constant 0 : i32
    %dma_wait3A_279 = arith.constant 0 : i32
    %dma_wait3A_280 = arith.constant 0 : i32
    %dma_wait3A_281 = tpu.memref_slice %arg7[%dma_wait3A_276, %dma_wait3A_278, %dma_wait3A_279, %dma_wait3A_280] : memref<2x8x8x129xf32, #tpu.memory_space<vmem>> -> memref<1x8x8x128xf32, #tpu.memory_space<vmem>>
    %dma_wait3A_282 = tpu.memref_squeeze %dma_wait3A_281 : memref<1x8x8x128xf32, #tpu.memory_space<vmem>> -> memref<8x8x128xf32, #tpu.memory_space<vmem>>
    %dma_wait3A_283 = arith.constant 0 : i32
    %dma_wait3A_284 = arith.constant 0 : i32
    %dma_wait3A_285 = arith.constant 0 : i32
    %dma_wait3A_286 = tpu.memref_slice %arg4[%dma_wait3A_277, %dma_wait3A_283, %add3A, %dma_wait3A_284, %dma_wait3A_285] : memref<200x8x32x8x128xf32, #tpu.memory_space<hbm>> -> memref<1x8x1x8x128xf32, #tpu.memory_space<hbm>>
    %dma_wait3A_287 = tpu.memref_squeeze %dma_wait3A_286 : memref<1x8x1x8x128xf32, #tpu.memory_space<hbm>> -> memref<8x8x128xf32, #tpu.memory_space<hbm>>
    %dma_wait3A_288 = arith.constant 0 : i32
    %dma_wait3A_289 = arith.constant 0 : i32
    %dma_wait3A_290 = arith.constant 0 : i32
    %dma_wait3A_291 = tpu.memref_slice %arg4[%dma_wait3A_277, %dma_wait3A_288, %add3A, %dma_wait3A_289, %dma_wait3A_290] : memref<200x8x32x8x128xf32, #tpu.memory_space<hbm>> -> memref<1x8x1x8x128xf32, #tpu.memory_space<hbm>>
    %dma_wait3A_292 = tpu.memref_squeeze %dma_wait3A_291 : memref<1x8x1x8x128xf32, #tpu.memory_space<hbm>> -> memref<8x8x128xf32, #tpu.memory_space<hbm>>
    %dma_wait3A_293 = arith.constant 0 : i32
    %dma_wait3A_294 = arith.constant 0 : i32
    %dma_wait3A_295 = arith.constant 0 : i32
    %dma_wait3A_296 = tpu.memref_slice %arg7[%dma_wait3A_276, %dma_wait3A_293, %dma_wait3A_294, %dma_wait3A_295] : memref<2x8x8x129xf32, #tpu.memory_space<vmem>> -> memref<1x8x8x128xf32, #tpu.memory_space<vmem>>
    %dma_wait3A_297 = tpu.memref_squeeze %dma_wait3A_296 : memref<1x8x8x128xf32, #tpu.memory_space<vmem>> -> memref<8x8x128xf32, #tpu.memory_space<vmem>>
    tpu.wait_dma2 semaphore(%arg11 : memref<!tpu.dma_semaphore, #tpu.memory_space<semaphore_mem>>) src(%dma_wait3A_297 : memref<8x8x128xf32, #tpu.memory_space<vmem>>) dst(%dma_wait3A_292 : memref<8x8x128xf32, #tpu.memory_space<hbm>>)
    return
  }
}

</mosaic_0001>

<sc_bundles>
// kernel: _emb_call.3.cloned.1.call-start
scs
__scs_entry_jumppad:
0x0: {  	(pc) =	sbr.rel $0x88, $3  }
0x1: {  	(tag) =	ssettag $0x0;
	lr =	simm.s32 $0x1  }
0x2: {  	[smem:$0x3F9F] =	sst lr;
	_ =	strace $0xD0000000  }
0x3: {  	_ = 	snop  }
0x4: {  	_ = 	snop  }
0x5: {  	_ = 	snop  }
0x6: {  	_ = 	snop  }
0x7: {  	_ = 	snop  }
__scs_overlays_trampoline_lowered:
0x8: {  	[smem:$0x3FAE] =	sst s0  }
0x9: {  	[smem:$0x3FAF] =	sst s1  }
0xa: {  	[smem:$0x3FB0] =	sst s2  }
0xb: {  	[smem:$0x3FB1] =	sst s3  }
0xc: {  	[smem:$0x3FB2] =	sst s4  }
0xd: {  	[smem:$0x3FB3] =	sst s5  }
0xe: {  	[smem:$0x3FB4] =	sst s6  }
0xf: {  	[smem:$0x3FB5] =	sst s7  }
0x10: {  	[smem:$0x3FB6] =	sst s8  }
0x11: {  	[smem:$0x3FB7] =	sst s9;
	s0 =	simm.s32 @!p0 $0x0  }
0x12: {  	s1 =	sld [smem:$0x3F9D];
	s0 =	simm.s32 @p0 $0x1  }
0x13: {  	[smem:$0x3FB8] =	sst s0;
	s0 =	simm.s32 @!p1 $0x0  }
0x14: {  	s2 =	sld [smem:$0x3F9C];
	s0 =	simm.s32 @p1 $0x1  }
0x15: {  	[smem:$0x3FB9] =	sst s0;
	s0 =	simm.s32 @!p2 $0x0  }
0x16: {  	s3 =	sld [smem:$0x3FDB];
	s0 =	simm.s32 @p2 $0x1  }
0x17: {  	s4 =	simm.s32 $0x1BF5;
	[smem:$0x3FBB] =	sst s0  }
0x18: {  	s0 =	sld [smem:$0x3F9E];
	_ =	swait.ge [sflag:s4], $0x0  }
0x19: {  	s7 =	sld [smem:$0x3F9F]  }
0x1a: {  	s8 =	sadd.s32 $0xFFFFE003, lr  }
0x1b: {  	s9 =	sadd.s32 $0xFFFFFEF7, lr;
	s5 =	simm.s32 $0xFFFFFFFF;
	p2 =	slt.u32 s8, $0xFFFFF086  }
0x1c: {  	p1 =	slt.u32 s9, $0xF7A;
	s5 =	simm.s32 @!p2 $0x0  }
0x1d: {  	s5 =	simm.s32 @p1 $0x1;
	p0 =	seq.s32 s7, s2  }
0x1e: {  	s7 =	smul.u32 @!p0 $0xF7A, s2;
	p2 =	seq.s32 @!p0 s5, $0x0  }
0x1f: {  	s9 =	smul.u32 $0xF7A, s1;
	s8 =	simm.s32 @!p0 $0x1BF5;
	p2 =	por !p2, p0  }
0x20: {  	[sflag:s8] =	ssyncset.s32 @!p0 $0xFFFFF086;
	s6 =	sadd.s32 @!p0 s3, s7;
	s7 =	simm.s32 @!p0 $0x108  }
0x21: {  	s3 =	sadd.s32 s3, s9;
	s6 =	sadd.s32 @!p0 $0x88, s6;
	s7 =	simm.s32 @p2 $0x1082  }
0x22: {  	[simem:s7], [sflag:s8] =	dma.local @!p0 [hbm:s6], $0xF7A  }
0x23: {  	s9 =	sor.u32 $0xD0000000, s2;
	s6 =	simm.s32 $0x108;
	_ =	swait.ge @!p0 [sflag:s8], $0x0  }
0x24: {  	s3 =	sadd.s32 $0x88, s3;
	s6 =	simm.s32 @!p1 $0x1082;
	[sflag:s4] =	ssyncset.s32 $0xFFFFF086  }
0x25: {  	[simem:s6], [sflag:s4] =	dma.local [hbm:s3], $0xF7A  }
0x26: {  	[smem:$0x3F9F] =	sst s1;
	(tag) =	ssettag s2;
	_ =	strace s9  }
0x27: {  	s1 =	sld [smem:$0x3FAF]  }
0x28: {  	s2 =	sld [smem:$0x3FB0]  }
0x29: {  	s4 =	sld [smem:$0x3FB2]  }
0x2a: {  	p0 =	seq.s32 s5, $0x0;
	s5 =	sld [smem:$0x3FB3]  }
0x2b: {  	s6 =	sld [smem:$0x3FB4]  }
0x2c: {  	s7 =	sld [smem:$0x3FB5]  }
0x2d: {  	s3 =	simm.s32 $0x108;
	s8 =	sld [smem:$0x3FB6]  }
0x2e: {  	s3 =	simm.s32 @!p0 $0x1082;
	s9 =	sld [smem:$0x3FB7]  }
0x2f: {  	lr =	sadd.s32 s0, s3;
	s0 =	sld [smem:$0x3FAE]  }
0x30: {  	s3 =	sld [smem:$0x3FB1]  }
0x31: {  	[smem:$0x3FBA] =	sst s10  }
0x32: {  	s10 =	sld [smem:$0x3FB8];
	_ =	sdelay $0x3  }
0x33: {  	p0 =	seq.s32 s10, $0x1;
	s10 =	sld [smem:$0x3FBA];
	_ =	sdelay $0x3  }
0x34: {  	[smem:$0x3FBA] =	sst s10  }
0x35: {  	s10 =	sld [smem:$0x3FB9];
	_ =	sdelay $0x3  }
0x36: {  	p1 =	seq.s32 s10, $0x1;
	s10 =	sld [smem:$0x3FBA];
	_ =	sdelay $0x3  }
0x37: {  	[smem:$0x3FBA] =	sst s10  }
0x38: {  	s10 =	sld [smem:$0x3FBB]  }
0x39: {  	_ = 	snop;
	(pc) =	sbr.ind lr, $3  }
0x3a: {  	_ = 	snop  }
0x3b: {  	_ = 	snop  }
0x3c: {  	p2 =	seq.s32 s10, $0x1;
	s10 =	sld [smem:$0x3FBA]  }
0x3d: {  	_ =	shalt  }
0x3e: {  	_ =	shalt  }
0x3f: {  	_ =	shalt  }
0x40: {  	_ =	shalt  }
0x41: {  	_ =	shalt  }
0x42: {  	_ =	shalt  }
0x43: {  	_ =	shalt  }
0x44: {  	_ =	shalt  }
0x45: {  	_ =	shalt  }
0x46: {  	_ =	shalt  }
0x47: {  	_ =	shalt  }
0x48: {  	_ =	shalt  }
0x49: {  	_ =	shalt  }
0x4a: {  	_ =	shalt  }
0x4b: {  	_ =	shalt  }
0x4c: {  	_ =	shalt  }
0x4d: {  	_ =	shalt  }
0x4e: {  	_ =	shalt  }
0x4f: {  	_ =	shalt  }
0x50: {  	_ =	shalt  }
0x51: {  	_ =	shalt  }
0x52: {  	_ =	shalt  }
0x53: {  	_ =	shalt  }
0x54: {  	_ =	shalt  }
0x55: {  	_ =	shalt  }
0x56: {  	_ =	shalt  }
0x57: {  	_ =	shalt  }
0x58: {  	_ =	shalt  }
0x59: {  	_ =	shalt  }
0x5a: {  	_ =	shalt  }
0x5b: {  	_ =	shalt  }
0x5c: {  	_ =	shalt  }
0x5d: {  	_ =	shalt  }
0x5e: {  	_ =	shalt  }
0x5f: {  	_ =	shalt  }
0x60: {  	_ =	shalt  }
0x61: {  	_ =	shalt  }
0x62: {  	_ =	shalt  }
0x63: {  	_ =	shalt  }
0x64: {  	_ =	shalt  }
0x65: {  	_ =	shalt  }
0x66: {  	_ =	shalt  }
0x67: {  	_ =	shalt  }
0x68: {  	_ =	shalt  }
0x69: {  	_ =	shalt  }
0x6a: {  	_ =	shalt  }
0x6b: {  	_ =	shalt  }
0x6c: {  	_ =	shalt  }
0x6d: {  	_ =	shalt  }
0x6e: {  	_ =	shalt  }
0x6f: {  	_ =	shalt  }
0x70: {  	_ =	shalt  }
0x71: {  	_ =	shalt  }
0x72: {  	_ =	shalt  }
0x73: {  	_ =	shalt  }
0x74: {  	_ =	shalt  }
0x75: {  	_ =	shalt  }
0x76: {  	_ =	shalt  }
0x77: {  	_ =	shalt  }
0x78: {  	_ =	shalt  }
0x79: {  	_ =	shalt  }
0x7a: {  	_ =	shalt  }
0x7b: {  	_ =	shalt  }
0x7c: {  	_ =	shalt  }
0x7d: {  	_ =	shalt  }
0x7e: {  	_ =	shalt  }
0x7f: {  	_ =	shalt  }
0x80: {  	_ =	shalt  }
0x81: {  	_ =	shalt  }
0x82: {  	_ =	shalt  }
0x83: {  	_ =	shalt  }
0x84: {  	_ =	shalt  }
0x85: {  	_ =	shalt  }
0x86: {  	_ =	shalt  }
0x87: {  	_ =	shalt  }
.Lfunc_end0:
.L_simem_size_0:
called_computation_lowered:
.L_overlay_start_0:
0x88: {  	s2 =	sld [smem:$0x3FD9]  }
0x89: {  	s3 =	sld [smem:$0x3FFE];
	_ =	sdelay $0x1  }
0x8a: {  	s1 =	srdreg.scid  }
0x8b: {  	s0 =	sand.u32 $0x1, s1  }
0x8c: {  	s18 =	sshll.u32 s0, $0xA;
	s2 =	sadd.s32 s3, s2  }
0x8d: {  	s2 =	sadd.s32 s2, s18  }
0x8e: {  	[smem:$0x3FC6] =	sst s2  }
0x8f: {  	_ = 	snop  }
0x90: {  	s2 =	sld [smem:$0x3FC9]  }
0x91: {  	s19 =	sld [smem:$0x3FC8]  }
0x92: {  	s4 =	sld [smem:$0x3FD0];
	(tm) =	ssettm $0x1  }
0x93: {  	s5 =	sld [smem:$0x3FFB];
	_ =	sdelay $0x3  }
0x94: {  	_ =	strace s5  }
0x95: {  	s5 =	sld [smem:$0x3FFC];
	_ =	sdelay $0x3  }
0x96: {  	_ =	strace s5  }
0x97: {  	s5 =	sld [smem:$0x3FFD];
	_ =	sdelay $0x3  }
0x98: {  	_ =	strace s5  }
0x99: {  	_ =	strace $0x8FFFFFFF  }
0x9a: {  	s20 =	sld [smem:$0x3FDB];
	_ =	sdelay $0x1  }
0x9b: {  	s6 =	simm.s32 $_scs_section_size  }
0x9c: {  	s7 =	simm.s32 $_size__tile_overlayer_lowered;
	s8 =	simm.s32 $_tile_overlayer_lowered  }
0x9d: {  	s23 =	simm.s32 $0x1BFF;
	s22 =	sshll.u32 s8, $0x1;
	s5 =	sadd.s32 s6, s20  }
0x9e: {  	s9 =	simm.s32 $0x0;
	s21 =	sshll.u32 s7, $0x1;
	s7 =	sadd.s32 s22, s5  }
0x9f: {  	[timem:s9], [sflag:s23] =	dma.local [hbm:s7], s21  }
0xa0: {  	_ =	swait.ge [sflag:s23], s21  }
0xa1: {  	s6 =	ssub.s32 $0x0, s21;
	[sflag:s23] =	ssyncset.done $0x0  }
0xa2: {  	[sflag:s23] =	ssyncadd.s32 s6;
	_ =	sdelay $0x1  }
0xa3: {  	s24 =	simm.s32 $0x1B8B  }
0xa4: {  	_ =	swait.ge [sflag:s24], $0x1  }
0xa5: {  	[sflag:s24] =	ssyncset.done $0x0  }
0xa6: {  	s25 =	simm.s32 $0x1B8E;
	[sflag:s24] =	ssyncadd.s32 $0xFFFFFFFF  }
0xa7: {  	s26 =	simm.s32 $execute0_lowered;
	[smem:$0x3FD2] =	sst s25  }
0xa8: {  	s6 =	sshll.u32 s26, $0x1;
	_ =	strace $0x80000046;
	[dreg:$0x1] =	wrdreg $0xFFFFFFFF  }
0xa9: {  	s28 =	simm.s32 $_size_execute0_lowered;
	s5 =	sadd.s32 s5, s6;
	[dreg:$0x0] =	wrdreg $0x0  }
0xaa: {  	s6 =	sshll.u32 s28, $0x1;
	[dreg:$0x2] =	wrdreg s5  }
0xab: {  	[dreg:$0x3] =	wrdreg s6  }
0xac: {  	[dreg:$0x4] =	wrdreg $0xC0  }
0xad: {  	_ =	task [dreg:s9], $0x5FFFF  }
0xae: {  	[dreg:$0x1] =	wrdreg $0xFFFFFFFF  }
0xaf: {  	[dreg:$0x0] =	wrdreg $0x60  }
0xb0: {  	[dreg:$0x2] =	wrdreg s19  }
0xb1: {  	[dreg:$0x3] =	wrdreg s2  }
0xb2: {  	[dreg:$0x4] =	wrdreg s4  }
0xb3: {  	[dreg:$0x5] =	wrdreg $0x9  }
0xb4: {  	_ =	task.clear_ibuf [dreg:s9], $0x6FFFF;
	_ =	strace $0x90000046  }
0xb5: {  	s29 =	simm.s32 $0x9;
	_ =	strace $0x80000048  }
0xb6: {  	_ =	swait.ge [sflag:s29], $0x1  }
0xb7: {  	[sflag:s29] =	ssyncadd.s32 $0xFFFFFFFF  }
0xb8: {  	_ =	strace $0x90000048  }
0xb9: {  	_ =	sfence  }
0xba: {  	s30 =	sld [smem:$0x0];
	_ =	sdelay $0x2  }
0xbb: {  	s31 =	sshll.u32 s1, $0xD;
	s1 =	sshrl.u32 s1, $0x2  }
0xbc: {  	s3 =	sand.u32 $0x4000, s31;
	s1 =	sadd.s32 s1, s30  }
0xbd: {  	s0 =	sor.u32 s3, s0;
	s1 =	sshll.u32 s1, $0x11  }
0xbe: {  	s0 =	sor.u32 s1, s0  }
0xbf: {  	s0 =	sadd.s32 $0x8F2B, s0  }
0xc0: {  	[sflag:s0] =	ssyncadd.remote.s32 $0x1  }
0xc1: {  	_ =	sfence.sel $0xFFFF  }
0xc2: {  	[dreg:$0x0] =	wrdreg $0xFFFFFFFF;
	(pc) =	sbr.abs _section_cstart, $3  }
0xc3: {  	[dreg:$0x1] =	wrdreg $0xFFFFFFFF  }
0xc4: {  	_ =	task.clear_ibuf [dreg:s9], $0x2FFFF;
	_ =	strace $0x9FFFFFFF  }
0xc5: {  	(tm) =	ssettm $0x7FFFFFFF  }
tec
execute0_lowered:
.L_overlay_start_1:
0x0: {  	(tag) =	ssettag $0x1  }
0x1: {  	v0 =	vimm.s32 $0xB80  }
0x2: {  	vm14 =	vcmask $0x300;
	vm13 =	vcmask $0x704;
	vm12 =	vcmask $0xB08  }
0x3: {  	vm11 =	vcmask $0xF0C;
	vm10 =	vcmask $0x1310;
	vm9 =	vcmask $0x1714  }
0x4: {  	vm8 =	vcmask $0x1B18;
	vm7 =	vcmask $0x1F1C;
	vm6 =	vcmask $0x2320  }
0x5: {  	vm5 =	vcmask $0x2724;
	vm4 =	vcmask $0x2B28;
	vm3 =	vcmask $0x2F2C  }
0x6: {  	vm2 =	vcmask $0x3330;
	vm1 =	vcmask $0x3734;
	vm0 =	vcmask $0x3B38  }
0x7: {  	v1 =	vimm.s32 $0x1B80;
	v2 =	vimm.s32 $0x2B80;
	v3 =	vimm.s32 $0x3B80  }
0x8: {  	v0 =	vsel vm14, $0x0, v0;
	v1 =	vsel vm14, $0x1000, v1;
	v2 =	vsel vm14, $0x2000, v2  }
0x9: {  	v3 =	vsel vm14, $0x3000, v3;
	v0 =	vsel vm13, $0x80, v0;
	v1 =	vsel vm13, $0x1080, v1  }
0xa: {  	v2 =	vsel vm13, $0x2080, v2;
	v3 =	vsel vm13, $0x3080, v3;
	v0 =	vsel vm12, $0x100, v0  }
0xb: {  	v1 =	vsel vm12, $0x1100, v1;
	v2 =	vsel vm12, $0x2100, v2;
	v3 =	vsel vm12, $0x3100, v3  }
0xc: {  	v0 =	vsel vm11, $0x180, v0;
	v1 =	vsel vm11, $0x1180, v1;
	v2 =	vsel vm11, $0x2180, v2  }
0xd: {  	v3 =	vsel vm11, $0x3180, v3;
	v0 =	vsel vm10, $0x200, v0;
	v1 =	vsel vm10, $0x1200, v1  }
0xe: {  	s0 =	rddreg [dreg:$0x0];
	v2 =	vsel vm10, $0x2200, v2;
	v3 =	vsel vm10, $0x3200, v3;
	v0 =	vsel vm9, $0x280, v0  }
0xf: {  	s1 =	rddreg [dreg:$0x1];
	v1 =	vsel vm9, $0x1280, v1;
	v2 =	vsel vm9, $0x2280, v2;
	v3 =	vsel vm9, $0x3280, v3  }
0x10: {  	s7 =	rddreg [dreg:$0x2];
	v0 =	vsel vm8, $0x300, v0;
	v1 =	vsel vm8, $0x1300, v1;
	v2 =	vsel vm8, $0x2300, v2  }
0x11: {  	s2 =	srdreg.scid;
	s5 =	stileid.u32;
	v3 =	vsel vm8, $0x3300, v3;
	v0 =	vsel vm7, $0x380, v0;
	v1 =	vsel vm7, $0x1380, v1  }
0x12: {  	s4 =	simm.s32 $0x0;
	s14 =	simm.s32 $0x1;
	s15 =	simm.s32 $0xE400;
	v2 =	vsel vm7, $0x2380, v2;
	v3 =	vsel vm7, $0x3380, v3;
	v0 =	vsel vm6, $0x800, v0  }
0x13: {  	s21 =	simm.s32 $0x11400;
	s22 =	simm.s32 $0x11C00;
	s23 =	simm.s32 $0x2;
	v1 =	vsel vm6, $0x1800, v1;
	v2 =	vsel vm6, $0x2800, v2;
	v3 =	vsel vm6, $0x3800, v3  }
0x14: {  	s24 =	simm.s32 $0x12400;
	s25 =	simm.s32 $0x12C00;
	s28 =	simm.s32 $0x13C00;
	v0 =	vsel vm5, $0x880, v0;
	v1 =	vsel vm5, $0x1880, v1;
	v2 =	vsel vm5, $0x2880, v2  }
0x15: {  	s29 =	simm.s32 $0x14400;
	s30 =	simm.s32 $0x14C00;
	s31 =	simm.s32 $0x15400;
	v3 =	vsel vm5, $0x3880, v3;
	v0 =	vsel vm4, $0x900, v0;
	v1 =	vsel vm4, $0x1900, v1  }
0x16: {  	s2 =	sand.u32 $0x1, s2;
	s5 =	sshll.u32 s5, $0x1;
	[smem:$0x7FF] =	sst s4;
	v2 =	vsel vm4, $0x2900, v2;
	v3 =	vsel vm4, $0x3900, v3;
	v0 =	vsel vm3, $0x980, v0  }
0x17: {  	s7 =	sadd.s32 $0x8000, s7;
	s3 =	ssub.s32 $0x2, s2;
	s2 =	sor.u32 s2, s5;
	v1 =	vsel vm3, $0x1980, v1;
	v2 =	vsel vm3, $0x2980, v2;
	v3 =	vsel vm3, $0x3980, v3  }
0x18: {  	_ =	strace $0x80000047;
	s6 =	sshrl.u32 s3, $0x1;
	s5 =	sshll.u32 s2, $0x4;
	v0 =	vsel vm2, $0xA00, v0;
	v1 =	vsel vm2, $0x1A00, v1;
	v2 =	vsel vm2, $0x2A00, v2  }
0x19: {  	s3 =	ssub.s32 s3, s6;
	s1 =	sadd.s32 s1, s5;
	s6 =	sshll.u32 s2, $0x7;
	v3 =	vsel vm2, $0x3A00, v3;
	v0 =	vsel vm1, $0xA80, v0;
	v1 =	vsel vm1, $0x1A80, v1  }
0x1a: {  	s5 =	simm.s32 $0x0;
	[dreg:$0x4] =	wrdreg s1;
	s26 =	smax.u32 s3, $0x1;
	v2 =	vsel vm1, $0x2A80, v2;
	v3 =	vsel vm1, $0x3A80, v3;
	v0 =	vsel vm0, $0xB00, v0  }
0x1b: {  	s1 =	simm.s32 $0x15C00;
	[dreg:$0x5] =	wrdreg s26;
	s26 =	simm.s32 $0x13400;
	v1 =	vsel vm0, $0x1B00, v1;
	v2 =	vsel vm0, $0x2B00, v2;
	v3 =	vsel vm0, $0x3B00, v3  }
.LBB2_1:
0x1c: {  	[dreg:$0x6] =	wrdreg s5  }
0x1d: {  	s2 =	rddreg [dreg:$0x4]  }
0x1e: {  	s3 =	simm.s32 $0x80;
	s17 =	simm.s32 $0x1000;
	s18 =	simm.s32 $0x5  }
0x1f: {  	[tilespmem:s4], [sflag:$0x5] =	stream.strided.gather [hbm4b:s2+s3], $0x6400, s17, s3, $0x38;
	[tilespmem:$0x16400] =	vst v63  }
0x20: {  	_ =	swait.ge [sflag:s18], $0x6400  }
0x21: {  	[sflag:s18] =	ssyncset.done $0x0  }
0x22: {  	s19 =	simm.s32 $0x6400;
	[sflag:s18] =	ssyncadd.s32 $0xFFFF9C00  }
0x23: {  	[tilespmem:s19], [sflag:$0x1] =	stream.indirect.gather [hbm4b:s0+s3], $0x80, s4, s3, $0xb8;
	[tilespmem:$0x16400] =	vst v63  }
0x24: {  	s20 =	simm.s32 $0xA400;
	s13 =	simm.s32 $0x0  }
0x25: {  	[tilespmem:s20], [sflag:$0x2] =	stream.indirect.gather [hbm4b:s0+s3], $0x80, s3, s3, $0xb8;
	[tilespmem:$0x16400] =	vst v63  }
.LBB2_2:
0x26: {  	_ =	swait.ge [sflag:s14], $0x4000  }
0x27: {  	p0 =	seq.s32 s13, $0x0;
	[sflag:s14] =	ssyncset.done $0x0  }
0x28: {  	s2 =	simm.s32 @!p0 $0x3;
	[sflag:s14] =	ssyncadd.s32 $0xFFFFC000  }
0x29: {  	_ =	swait.ge @!p0 [sflag:s2], $0x2000  }
0x2a: {  	[sflag:s2] =	ssyncset.done @!p0 $0x0  }
0x2b: {  	s20 =	simm.s32 $0x6500;
	[sflag:s2] =	ssyncadd.s32 @!p0 $0xFFFFE000  }
0x2c: {  	v4 =	vld [tilespmem:s20+$0x80]  }
0x2d: {  	s10 =	simm.s32 $0x3  }
0x2e: {  	v5 =	vor.u32 s10, v0;
	_ =	sdelay $0x1  }
0x2f: {  	v6 =	vld [tilespmem:s20+$0xFFFFFF00]  }
0x30: {  	s17 =	simm.s32 $0x0;
	v7 =	vld [tilespmem:s20+$0xFFFFFF80];
	v4 =	vmul.f32 $8.000000000e+00, v4  }
0x31: {  	s16 =	simm.s32 $0x1;
	v9 =	vor.u32 s17, v0;
	v8 =	vld [tilespmem:s20+$0x0]  }
0x32: {  	s18 =	simm.s32 $0x2;
	v10 =	vor.u32 s16, v0;
	[tilespmem:v5+s15+$0x0] =	vst.idx.msk $0xffff, v4  }
0x33: {  	v4 =	vor.u32 s18, v0;
	v5 =	vld [tilespmem:s20+$0x90]  }
0x34: {  	v6 =	vmul.f32 $8.000000000e+00, v6  }
0x35: {  	v11 =	vor.u32 s10, v1;
	v7 =	vmul.f32 $8.000000000e+00, v7  }
0x36: {  	v8 =	vmul.f32 $8.000000000e+00, v8;
	[tilespmem:v9+s15+$0x0] =	vst.idx.msk $0xffff, v6  }
0x37: {  	[tilespmem:v10+s15+$0x0] =	vst.idx.msk $0xffff, v7;
	v6 =	vld [tilespmem:s20+$0xFFFFFF10]  }
0x38: {  	v7 =	vld [tilespmem:s20+$0xFFFFFF90];
	[tilespmem:v4+s15+$0x0] =	vst.idx.msk $0xffff, v8;
	v4 =	vmul.f32 $8.000000000e+00, v5  }
0x39: {  	s5 =	simm.s32 $0x6700;
	v8 =	vor.u32 s17, v1;
	v5 =	vld [tilespmem:s20+$0x10]  }
0x3a: {  	v9 =	vor.u32 s16, v1;
	[tilespmem:v11+s15+$0x0] =	vst.idx.msk $0xffff, v4;
	v4 =	vld [tilespmem:s5+$0x80]  }
0x3b: {  	s9 =	simm.s32 $0x7;
	v10 =	vor.u32 s18, v1;
	v11 =	vld [tilespmem:s20+$0xA0]  }
0x3c: {  	v13 =	vor.u32 s9, v0;
	v12 =	vld [tilespmem:s5+$0xFFFFFF80];
	v6 =	vmul.f32 $8.000000000e+00, v6  }
0x3d: {  	s8 =	simm.s32 $0x5;
	v15 =	vor.u32 s10, v2;
	v14 =	vld [tilespmem:s5+$0x0];
	v7 =	vmul.f32 $8.000000000e+00, v7  }
0x3e: {  	s11 =	simm.s32 $0x6;
	[tilespmem:v8+s15+$0x0] =	vst.idx.msk $0xffff, v6;
	v6 =	vld [tilespmem:s5+$0xFFFFFF00];
	v8 =	vor.u32 s8, v0;
	v5 =	vmul.f32 $8.000000000e+00, v5  }
0x3f: {  	s3 =	simm.s32 $0x4;
	[tilespmem:v9+s15+$0x0] =	vst.idx.msk $0xffff, v7;
	v7 =	vor.u32 s11, v0;
	v9 =	vld [tilespmem:s20+$0xFFFFFF20];
	v4 =	vmul.f32 $8.000000000e+00, v4  }
0x40: {  	[tilespmem:v10+s15+$0x0] =	vst.idx.msk $0xffff, v5;
	v5 =	vor.u32 s3, v0;
	v10 =	vld [tilespmem:s20+$0xFFFFFFA0];
	v11 =	vmul.f32 $8.000000000e+00, v11  }
0x41: {  	v12 =	vmul.f32 $8.000000000e+00, v12;
	[tilespmem:v13+s15+$0x0] =	vst.idx.msk $0xffff, v4;
	v4 =	vor.u32 s17, v2;
	v13 =	vld [tilespmem:s20+$0x20]  }
0x42: {  	v17 =	vor.u32 s16, v2;
	v14 =	vmul.f32 $8.000000000e+00, v14;
	v16 =	vld [tilespmem:s5+$0x90];
	[tilespmem:v15+s15+$0x0] =	vst.idx.msk $0xffff, v11  }
0x43: {  	v6 =	vmul.f32 $8.000000000e+00, v6;
	[tilespmem:v8+s15+$0x0] =	vst.idx.msk $0xffff, v12;
	v8 =	vor.u32 s18, v2;
	v11 =	vld [tilespmem:s20+$0xB0]  }
0x44: {  	[tilespmem:v7+s15+$0x0] =	vst.idx.msk $0xffff, v14;
	v7 =	vor.u32 s9, v1;
	v15 =	vld [tilespmem:s5+$0xFFFFFF90];
	v9 =	vmul.f32 $8.000000000e+00, v9  }
0x45: {  	v14 =	vld [tilespmem:s5+$0x10];
	[tilespmem:v5+s15+$0x0] =	vst.idx.msk $0xffff, v6;
	v5 =	vmul.f32 $8.000000000e+00, v10;
	v10 =	vor.u32 s10, v3  }
0x46: {  	v19 =	vor.u32 s8, v1;
	v18 =	vld [tilespmem:s5+$0xFFFFFF10];
	[tilespmem:v4+s15+$0x0] =	vst.idx.msk $0xffff, v9;
	v9 =	vmul.f32 $8.000000000e+00, v13  }
0x47: {  	v12 =	vor.u32 s11, v1;
	[tilespmem:v17+s15+$0x0] =	vst.idx.msk $0xffff, v5;
	v13 =	vmul.f32 $8.000000000e+00, v16;
	v6 =	vld [tilespmem:s20+$0xFFFFFF30]  }
0x48: {  	v4 =	vld [tilespmem:s20+$0xFFFFFFB0];
	[tilespmem:v8+s15+$0x0] =	vst.idx.msk $0xffff, v9;
	v11 =	vmul.f32 $8.000000000e+00, v11;
	v9 =	vor.u32 s3, v1  }
0x49: {  	s12 =	simm.s32 $0x6900;
	v16 =	vmul.f32 $8.000000000e+00, v15;
	v8 =	vor.u32 s17, v3;
	[tilespmem:v7+s15+$0x0] =	vst.idx.msk $0xffff, v13;
	v5 =	vld [tilespmem:s20+$0x30]  }
0x4a: {  	s2 =	simm.s32 $0x8;
	v15 =	vmul.f32 $8.000000000e+00, v14;
	v13 =	vld [tilespmem:s12+$0x80];
	[tilespmem:v10+s15+$0x0] =	vst.idx.msk $0xffff, v11;
	v10 =	vor.u32 s16, v3  }
0x4b: {  	s10 =	sshll.u32 s13, $0xA;
	s17 =	simm.s32 $0xC;
	[tilespmem:v19+s15+$0x0] =	vst.idx.msk $0xffff, v16;
	s16 =	simm.s32 $0xB;
	v14 =	vmul.f32 $8.000000000e+00, v18;
	v7 =	vld [tilespmem:s5+$0xA0];
	v11 =	vor.u32 s18, v3  }
.LBB2_3:
0x4c: {  	p1 =	slt.u32 s17, $0x7C;
	v16 =	vld [tilespmem:s12+$0xFFFFFF80];
	v17 =	vor.u32 s16, v0;
	[tilespmem:v12+s15+$0x0] =	vst.idx.msk $0xffff, v15;
	v6 =	vmul.f32 $8.000000000e+00, v6  }
0x4d: {  	s19 =	sadd.s32 $0x1, s2;
	v12 =	vld [tilespmem:s12+$0x0];
	[tilespmem:v9+s15+$0x0] =	vst.idx.msk $0xffff, v14;
	v9 =	vor.u32 s9, v2;
	v4 =	vmul.f32 $8.000000000e+00, v4  }
0x4e: {  	s18 =	sadd.s32 $0x2, s2;
	v15 =	vor.u32 s19, v0;
	v14 =	vld [tilespmem:s12+$0xFFFFFF00];
	[tilespmem:v8+s15+$0x0] =	vst.idx.msk $0xffff, v6;
	v5 =	vmul.f32 $8.000000000e+00, v5  }
0x4f: {  	v6 =	vor.u32 s18, v0;
	v8 =	vmul.f32 $8.000000000e+00, v13;
	v13 =	vld [tilespmem:s5+$0xFFFFFF20];
	[tilespmem:v10+s15+$0x0] =	vst.idx.msk $0xffff, v4  }
0x50: {  	v4 =	vor.u32 s2, v0;
	v10 =	vld [tilespmem:s5+$0xFFFFFFA0];
	v7 =	vmul.f32 $8.000000000e+00, v7;
	[tilespmem:v11+s15+$0x0] =	vst.idx.msk $0xffff, v5  }
0x51: {  	v5 =	vmul.f32 $8.000000000e+00, v16;
	[tilespmem:v17+s15+$0x0] =	vst.idx.msk $0xffff, v8;
	v8 =	vor.u32 s3, v2;
	v11 =	vld [tilespmem:s5+$0x20]  }
0x52: {  	v17 =	vor.u32 s8, v2;
	v12 =	vmul.f32 $8.000000000e+00, v12;
	v16 =	vld [tilespmem:s12+$0x90];
	[tilespmem:v9+s15+$0x0] =	vst.idx.msk $0xffff, v7  }
0x53: {  	v7 =	vmul.f32 $8.000000000e+00, v14;
	[tilespmem:v15+s15+$0x0] =	vst.idx.msk $0xffff, v5;
	v5 =	vor.u32 s11, v2;
	v14 =	vld [tilespmem:s5+$0xB0]  }
0x54: {  	v18 =	vor.u32 s16, v1;
	v15 =	vld [tilespmem:s12+$0xFFFFFF90];
	[tilespmem:v6+s15+$0x0] =	vst.idx.msk $0xffff, v12;
	v6 =	vmul.f32 $8.000000000e+00, v13  }
0x55: {  	v19 =	vor.u32 s9, v3;
	s9 =	smov.u32 s16;
	[tilespmem:v4+s15+$0x0] =	vst.idx.msk $0xffff, v7;
	v7 =	vld [tilespmem:s12+$0x10];
	v4 =	vmul.f32 $8.000000000e+00, v10  }
0x56: {  	v21 =	vor.u32 s19, v1;
	v20 =	vld [tilespmem:s12+$0xFFFFFF10];
	[tilespmem:v8+s15+$0x0] =	vst.idx.msk $0xffff, v6;
	v8 =	vmul.f32 $8.000000000e+00, v11  }
.Ltmp0:
0x57: {  	v12 =	vor.u32 s18, v1;
	v10 =	vmul.f32 $8.000000000e+00, v16;
	v6 =	vld [tilespmem:s5+$0xFFFFFF30];
	[tilespmem:v17+s15+$0x0] =	vst.idx.msk $0xffff, v4;
	(pc) =	sbr.rel @p1 .LBB2_3-.Ltmp0, $4  }
0x58: {  	v9 =	vor.u32 s2, v1;
	v4 =	vld [tilespmem:s5+$0xFFFFFFB0];
	[tilespmem:v5+s15+$0x0] =	vst.idx.msk $0xffff, v8;
	v11 =	vmul.f32 $8.000000000e+00, v14  }
0x59: {  	v8 =	vor.u32 s3, v3;
	s3 =	smov.u32 s2;
	v16 =	vmul.f32 $8.000000000e+00, v15;
	[tilespmem:v18+s15+$0x0] =	vst.idx.msk $0xffff, v10;
	v5 =	vld [tilespmem:s5+$0x30];
	s5 =	smov.u32 s12;
	s12 =	sadd.s32 $0x200, s12  }
0x5a: {  	s2 =	smov.u32 s17;
	v10 =	vor.u32 s8, v3;
	s8 =	smov.u32 s19;
	v13 =	vld [tilespmem:s12+$0x80];
	v15 =	vmul.f32 $8.000000000e+00, v7;
	[tilespmem:v19+s15+$0x0] =	vst.idx.msk $0xffff, v11  }
0x5b: {  	s17 =	sadd.s32 $0x4, s17;
	s16 =	sadd.s32 $0x3, s2;
	v11 =	vor.u32 s11, v3;
	s11 =	smov.u32 s18;
	v14 =	vmul.f32 $8.000000000e+00, v20;
	[tilespmem:v21+s15+$0x0] =	vst.idx.msk $0xffff, v16;
	v7 =	vld [tilespmem:s5+$0xA0]  }
0x5c: {  	v16 =	vld [tilespmem:s12+$0xFFFFFF00]  }
0x5d: {  	v17 =	vld [tilespmem:s12+$0xFFFFFF80];
	v18 =	vor.u32 s16, v0  }
0x5e: {  	s17 =	sadd.s32 $0x1, s2;
	v19 =	vld [tilespmem:s12+$0x0];
	v20 =	vor.u32 s2, v0  }
0x5f: {  	s18 =	sadd.s32 $0x2, s2;
	v21 =	vor.u32 s17, v0  }
0x60: {  	v22 =	vor.u32 s18, v0;
	v13 =	vmul.f32 $8.000000000e+00, v13  }
0x61: {  	[tilespmem:v12+s15+$0x0] =	vst.idx.msk $0xffff, v15;
	v12 =	vmul.f32 $8.000000000e+00, v16  }
0x62: {  	[tilespmem:v18+s15+$0x0] =	vst.idx.msk $0xffff, v13;
	v13 =	vmul.f32 $8.000000000e+00, v17  }
0x63: {  	v15 =	vld [tilespmem:s12+$0x90];
	[tilespmem:v20+s15+$0x0] =	vst.idx.msk $0xffff, v12;
	v12 =	vmul.f32 $8.000000000e+00, v19  }
0x64: {  	[tilespmem:v21+s15+$0x0] =	vst.idx.msk $0xffff, v13;
	v13 =	vld [tilespmem:s12+$0xFFFFFF10]  }
0x65: {  	v6 =	vmul.f32 $8.000000000e+00, v6;
	v16 =	vld [tilespmem:s12+$0xFFFFFF90];
	[tilespmem:v22+s15+$0x0] =	vst.idx.msk $0xffff, v12;
	v12 =	vor.u32 s16, v1  }
0x66: {  	[tilespmem:v9+s15+$0x0] =	vst.idx.msk $0xffff, v14;
	v4 =	vmul.f32 $8.000000000e+00, v4;
	v14 =	vor.u32 s2, v1;
	v9 =	vld [tilespmem:s12+$0x10]  }
0x67: {  	[tilespmem:v8+s15+$0x0] =	vst.idx.msk $0xffff, v6;
	v5 =	vmul.f32 $8.000000000e+00, v5;
	v6 =	vor.u32 s17, v1  }
0x68: {  	v8 =	vld [tilespmem:s5+$0xFFFFFF20];
	[tilespmem:v10+s15+$0x0] =	vst.idx.msk $0xffff, v4;
	v4 =	vor.u32 s18, v1;
	v10 =	vmul.f32 $8.000000000e+00, v15  }
0x69: {  	[tilespmem:v11+s15+$0x0] =	vst.idx.msk $0xffff, v5;
	v17 =	vld [tilespmem:s5+$0xFFFFFFA0];
	v15 =	vor.u32 s9, v2;
	v5 =	vmul.f32 $8.000000000e+00, v13  }
0x6a: {  	v11 =	vor.u32 s3, v2;
	v13 =	vld [tilespmem:s5+$0x20];
	v16 =	vmul.f32 $8.000000000e+00, v16;
	[tilespmem:v12+s15+$0x0] =	vst.idx.msk $0xffff, v10  }
0x6b: {  	v10 =	vor.u32 s8, v2;
	v9 =	vmul.f32 $8.000000000e+00, v9;
	v12 =	vld [tilespmem:s12+$0xA0];
	[tilespmem:v14+s15+$0x0] =	vst.idx.msk $0xffff, v5  }
0x6c: {  	v5 =	vmul.f32 $8.000000000e+00, v7;
	v7 =	vor.u32 s11, v2;
	[tilespmem:v6+s15+$0x0] =	vst.idx.msk $0xffff, v16;
	v6 =	vld [tilespmem:s12+$0xFFFFFF20]  }
0x6d: {  	v8 =	vmul.f32 $8.000000000e+00, v8;
	[tilespmem:v4+s15+$0x0] =	vst.idx.msk $0xffff, v9;
	v4 =	vor.u32 s16, v2;
	v9 =	vld [tilespmem:s12+$0xFFFFFFA0]  }
0x6e: {  	v14 =	vor.u32 s2, v2;
	[tilespmem:v15+s15+$0x0] =	vst.idx.msk $0xffff, v5;
	v5 =	vmul.f32 $8.000000000e+00, v17;
	v15 =	vld [tilespmem:s12+$0x20]  }
0x6f: {  	[tilespmem:v11+s15+$0x0] =	vst.idx.msk $0xffff, v8;
	v11 =	vor.u32 s17, v2;
	v16 =	vld [tilespmem:s5+$0xB0];
	v8 =	vmul.f32 $8.000000000e+00, v13  }
0x70: {  	v13 =	vld [tilespmem:s5+$0xFFFFFF30];
	[tilespmem:v10+s15+$0x0] =	vst.idx.msk $0xffff, v5;
	v10 =	vor.u32 s18, v2;
	v5 =	vmul.f32 $8.000000000e+00, v12  }
0x71: {  	v12 =	vor.u32 s9, v3;
	v17 =	vld [tilespmem:s5+$0xFFFFFFB0];
	[tilespmem:v7+s15+$0x0] =	vst.idx.msk $0xffff, v8;
	v6 =	vmul.f32 $8.000000000e+00, v6  }
0x72: {  	v7 =	vor.u32 s3, v3;
	v8 =	vld [tilespmem:s5+$0x30];
	[tilespmem:v4+s15+$0x0] =	vst.idx.msk $0xffff, v5;
	v4 =	vmul.f32 $8.000000000e+00, v9  }
0x73: {  	v5 =	vor.u32 s8, v3;
	v9 =	vld [tilespmem:s12+$0xB0];
	[tilespmem:v14+s15+$0x0] =	vst.idx.msk $0xffff, v6;
	v6 =	vmul.f32 $8.000000000e+00, v15  }
0x74: {  	v14 =	vmul.f32 $8.000000000e+00, v16;
	v15 =	vor.u32 s11, v3;
	v16 =	vld [tilespmem:s12+$0xFFFFFF30];
	[tilespmem:v11+s15+$0x0] =	vst.idx.msk $0xffff, v4  }
0x75: {  	v4 =	vmul.f32 $8.000000000e+00, v13;
	v11 =	vor.u32 s16, v3;
	v13 =	vld [tilespmem:s12+$0xFFFFFFB0];
	[tilespmem:v10+s15+$0x0] =	vst.idx.msk $0xffff, v6  }
0x76: {  	[tilespmem:v12+s15+$0x0] =	vst.idx.msk $0xffff, v14;
	v6 =	vmul.f32 $8.000000000e+00, v17;
	v10 =	vor.u32 s2, v3;
	v12 =	vld [tilespmem:s12+$0x30]  }
0x77: {  	[tilespmem:v7+s15+$0x0] =	vst.idx.msk $0xffff, v4;
	v4 =	vmul.f32 $8.000000000e+00, v8;
	v7 =	vor.u32 s17, v3  }
0x78: {  	[tilespmem:v5+s15+$0x0] =	vst.idx.msk $0xffff, v6;
	v6 =	vor.u32 s18, v3;
	v5 =	vmul.f32 $8.000000000e+00, v9  }
0x79: {  	[tilespmem:v15+s15+$0x0] =	vst.idx.msk $0xffff, v4;
	v4 =	vmul.f32 $8.000000000e+00, v16  }
0x7a: {  	[tilespmem:v11+s15+$0x0] =	vst.idx.msk $0xffff, v5;
	v5 =	vmul.f32 $8.000000000e+00, v13  }
0x7b: {  	p1 =	seq.s32 s13, $0x63;
	[tilespmem:v10+s15+$0x0] =	vst.idx.msk $0xffff, v4;
	v4 =	vmul.f32 $8.000000000e+00, v12  }
0x7c: {  	s5 =	sshrl.u32 @!p1 s10, $0x2;
	[tilespmem:v7+s15+$0x0] =	vst.idx.msk $0xffff, v5  }
0x7d: {  	s3 =	simm.s32 @!p1 $0x80;
	s8 =	simm.s32 @!p1 $0x6400;
	s2 =	sadd.s32 @!p1 $0x100, s5;
	[tilespmem:v6+s15+$0x0] =	vst.idx.msk $0xffff, v4  }
0x7e: {  	[tilespmem:s8], [sflag:$0x1] =	stream.indirect.gather @!p1 [hbm4b:s0+s3], $0x80, s2, s3, $0xb8;
	[tilespmem:$0x16400] =	vst v63  }
0x7f: {  	s8 =	sshll.u32 s13, $0x10  }
0x80: {  	s9 =	rddreg [dreg:$0x2];
	s8 =	sor.u32 s6, s8  }
0x81: {  	s2 =	sadd.s32 s9, s8  }
0x82: {  	[hbm4b:s2+s4] =	stream.linear.scatter [tilespmem:s15], [sflag:$0x3], $0x400, $0x38;
	[tilespmem:$0x16400] =	vst v63  }
0x83: {  	s11 =	simm.s32 $0xEC00;
	s10 =	sadd.s32 $0x1000, s2  }
0x84: {  	[hbm4b:s10+s4] =	stream.linear.scatter [tilespmem:s11], [sflag:$0x3], $0x400, $0x38;
	[tilespmem:$0x16400] =	vst v63  }
0x85: {  	s16 =	simm.s32 $0xF400;
	s12 =	sadd.s32 $0x2000, s2  }
0x86: {  	[hbm4b:s12+s4] =	stream.linear.scatter [tilespmem:s16], [sflag:$0x3], $0x400, $0x38;
	[tilespmem:$0x16400] =	vst v63  }
0x87: {  	s18 =	simm.s32 $0xFC00;
	s17 =	sadd.s32 $0x3000, s2  }
0x88: {  	[hbm4b:s17+s4] =	stream.linear.scatter [tilespmem:s18], [sflag:$0x3], $0x400, $0x38;
	[tilespmem:$0x16400] =	vst v63  }
0x89: {  	s20 =	simm.s32 $0x10400;
	s19 =	sadd.s32 $0x4000, s2  }
0x8a: {  	[hbm4b:s19+s4] =	stream.linear.scatter [tilespmem:s20], [sflag:$0x3], $0x400, $0x38;
	[tilespmem:$0x16400] =	vst v63  }
0x8b: {  	s10 =	sadd.s32 $0x5000, s2;
	s11 =	simm.s32 $0x10C00  }
0x8c: {  	[hbm4b:s10+s4] =	stream.linear.scatter [tilespmem:s11], [sflag:$0x3], $0x400, $0x38;
	[tilespmem:$0x16400] =	vst v63  }
0x8d: {  	s12 =	sadd.s32 $0x6000, s2  }
0x8e: {  	[hbm4b:s12+s4] =	stream.linear.scatter [tilespmem:s21], [sflag:$0x3], $0x400, $0x38;
	[tilespmem:$0x16400] =	vst v63  }
0x8f: {  	s2 =	sadd.s32 $0x7000, s2  }
0x90: {  	[hbm4b:s2+s4] =	stream.linear.scatter [tilespmem:s22], [sflag:$0x3], $0x400, $0x38;
	[tilespmem:$0x16400] =	vst v63  }
0x91: {  	_ =	swait.ge [sflag:s23], $0x4000  }
0x92: {  	[sflag:s23] =	ssyncset.done $0x0  }
0x93: {  	s2 =	simm.s32 @!p0 $0x4;
	[sflag:s23] =	ssyncadd.s32 $0xFFFFC000  }
0x94: {  	_ =	swait.ge @!p0 [sflag:s2], $0x2000  }
0x95: {  	[sflag:s2] =	ssyncset.done @!p0 $0x0  }
0x96: {  	s16 =	simm.s32 $0xA5B0;
	[sflag:s2] =	ssyncadd.s32 @!p0 $0xFFFFE000  }
0x97: {  	v4 =	vld [tilespmem:s16+$0xFFFFFFD0]  }
0x98: {  	s19 =	simm.s32 $0x3  }
0x99: {  	v5 =	vor.u32 s19, v0  }
0x9a: {  	v6 =	vld [tilespmem:s16+$0xFFFFFE50]  }
0x9b: {  	s17 =	simm.s32 $0x0  }
0x9c: {  	v9 =	vor.u32 s17, v0;
	v7 =	vld [tilespmem:s16+$0xFFFFFED0];
	v4 =	vmul.f32 $8.000000000e+00, v4  }
0x9d: {  	s18 =	simm.s32 $0x1;
	v8 =	vld [tilespmem:s16+$0xFFFFFF50]  }
0x9e: {  	v10 =	vor.u32 s18, v0;
	s20 =	simm.s32 $0x2;
	[tilespmem:v5+s24+$0x0] =	vst.idx.msk $0xffff, v4  }
0x9f: {  	v6 =	vmul.f32 $8.000000000e+00, v6;
	v4 =	vor.u32 s20, v0;
	v5 =	vld [tilespmem:s16+$0xFFFFFFE0];
	_ =	sdelay $0x1  }
0xa0: {  	v11 =	vor.u32 s19, v1;
	v7 =	vmul.f32 $8.000000000e+00, v7;
	[tilespmem:v9+s24+$0x0] =	vst.idx.msk $0xffff, v6  }
0xa1: {  	v8 =	vmul.f32 $8.000000000e+00, v8;
	v6 =	vld [tilespmem:s16+$0xFFFFFE60]  }
0xa2: {  	[tilespmem:v10+s24+$0x0] =	vst.idx.msk $0xffff, v7  }
0xa3: {  	v7 =	vld [tilespmem:s16+$0xFFFFFEE0];
	[tilespmem:v4+s24+$0x0] =	vst.idx.msk $0xffff, v8;
	v8 =	vor.u32 s17, v1;
	v4 =	vmul.f32 $8.000000000e+00, v5  }
0xa4: {  	s9 =	simm.s32 $0xA7B0;
	v5 =	vld [tilespmem:s16+$0xFFFFFF60]  }
0xa5: {  	v9 =	vor.u32 s18, v1;
	[tilespmem:v11+s24+$0x0] =	vst.idx.msk $0xffff, v4;
	v4 =	vld [tilespmem:s9+$0xFFFFFFD0]  }
0xa6: {  	s3 =	simm.s32 $0x7;
	v12 =	vld [tilespmem:s9+$0xFFFFFED0];
	v10 =	vor.u32 s20, v1;
	v6 =	vmul.f32 $8.000000000e+00, v6  }
0xa7: {  	v13 =	vor.u32 s3, v0;
	s11 =	simm.s32 $0x5;
	v11 =	vld [tilespmem:s16+$0xFFFFFFF0]  }
0xa8: {  	v14 =	vld [tilespmem:s9+$0xFFFFFF50];
	v7 =	vmul.f32 $8.000000000e+00, v7;
	[tilespmem:v8+s24+$0x0] =	vst.idx.msk $0xffff, v6;
	v8 =	vor.u32 s11, v0  }
0xa9: {  	v15 =	vor.u32 s19, v2;
	s10 =	simm.s32 $0x6;
	v6 =	vld [tilespmem:s9+$0xFFFFFE50];
	v5 =	vmul.f32 $8.000000000e+00, v5  }
0xaa: {  	s12 =	simm.s32 $0x4;
	[tilespmem:v9+s24+$0x0] =	vst.idx.msk $0xffff, v7;
	v7 =	vor.u32 s10, v0;
	v9 =	vld [tilespmem:s16+$0xFFFFFE70];
	v4 =	vmul.f32 $8.000000000e+00, v4  }
0xab: {  	v12 =	vmul.f32 $8.000000000e+00, v12;
	[tilespmem:v10+s24+$0x0] =	vst.idx.msk $0xffff, v5;
	v5 =	vor.u32 s12, v0;
	v10 =	vld [tilespmem:s16+$0xFFFFFEF0]  }
0xac: {  	v11 =	vmul.f32 $8.000000000e+00, v11;
	[tilespmem:v13+s24+$0x0] =	vst.idx.msk $0xffff, v4;
	v4 =	vor.u32 s17, v2;
	v13 =	vld [tilespmem:s16+$0xFFFFFF70]  }
0xad: {  	v17 =	vor.u32 s18, v2;
	v14 =	vmul.f32 $8.000000000e+00, v14;
	[tilespmem:v8+s24+$0x0] =	vst.idx.msk $0xffff, v12;
	v16 =	vld [tilespmem:s9+$0xFFFFFFE0]  }
0xae: {  	v6 =	vmul.f32 $8.000000000e+00, v6;
	v8 =	vor.u32 s20, v2;
	[tilespmem:v15+s24+$0x0] =	vst.idx.msk $0xffff, v11;
	v15 =	vld [tilespmem:s9+$0xFFFFFEE0]  }
0xaf: {  	[tilespmem:v7+s24+$0x0] =	vst.idx.msk $0xffff, v14;
	v7 =	vor.u32 s3, v1;
	v9 =	vmul.f32 $8.000000000e+00, v9;
	v11 =	vld [tilespmem:s16+$0x0]  }
0xb0: {  	v63 =	vor.u32 s11, v1;
	v61 =	vld [tilespmem:s9+$0xFFFFFF60];
	[tilespmem:v5+s24+$0x0] =	vst.idx.msk $0xffff, v6;
	v5 =	vmul.f32 $8.000000000e+00, v10  }
0xb1: {  	v14 =	vor.u32 s19, v3;
	v62 =	vld [tilespmem:s9+$0xFFFFFE60];
	[tilespmem:v4+s24+$0x0] =	vst.idx.msk $0xffff, v9;
	v9 =	vmul.f32 $8.000000000e+00, v13  }
0xb2: {  	v12 =	vor.u32 s10, v1;
	[tilespmem:v17+s24+$0x0] =	vst.idx.msk $0xffff, v5;
	v10 =	vmul.f32 $8.000000000e+00, v16;
	v6 =	vld [tilespmem:s16+$0xFFFFFE80]  }
0xb3: {  	v4 =	vld [tilespmem:s16+$0xFFFFFF00];
	v16 =	vmul.f32 $8.000000000e+00, v15;
	[tilespmem:v8+s24+$0x0] =	vst.idx.msk $0xffff, v9;
	v9 =	vor.u32 s12, v1  }
0xb4: {  	s2 =	simm.s32 $0xA9B0;
	v11 =	vmul.f32 $8.000000000e+00, v11;
	v8 =	vor.u32 s17, v3;
	[tilespmem:v7+s24+$0x0] =	vst.idx.msk $0xffff, v10;
	v5 =	vld [tilespmem:s16+$0xFFFFFF80]  }
0xb5: {  	v13 =	vld [tilespmem:s2+$0xFFFFFFD0];
	v15 =	vmul.f32 $8.000000000e+00, v61;
	v10 =	vor.u32 s18, v3;
	[tilespmem:v63+s24+$0x0] =	vst.idx.msk $0xffff, v16  }
0xb6: {  	s17 =	simm.s32 $0xB;
	s16 =	simm.s32 $0x8;
	s18 =	simm.s32 $0xC;
	[tilespmem:v14+s24+$0x0] =	vst.idx.msk $0xffff, v11;
	v11 =	vor.u32 s20, v3;
	v14 =	vmul.f32 $8.000000000e+00, v62;
	v7 =	vld [tilespmem:s9+$0xFFFFFFF0]  }
.LBB2_5:
0xb7: {  	p0 =	slt.u32 s18, $0x7C;
	v16 =	vld [tilespmem:s2+$0xFFFFFED0];
	v17 =	vor.u32 s17, v0;
	[tilespmem:v12+s24+$0x0] =	vst.idx.msk $0xffff, v15;
	v6 =	vmul.f32 $8.000000000e+00, v6  }
0xb8: {  	s20 =	sadd.s32 $0x1, s16;
	v12 =	vld [tilespmem:s2+$0xFFFFFF50];
	[tilespmem:v9+s24+$0x0] =	vst.idx.msk $0xffff, v14;
	v9 =	vor.u32 s3, v2;
	v4 =	vmul.f32 $8.000000000e+00, v4  }
0xb9: {  	s19 =	sadd.s32 $0x2, s16;
	v15 =	vor.u32 s20, v0;
	v14 =	vld [tilespmem:s2+$0xFFFFFE50];
	[tilespmem:v8+s24+$0x0] =	vst.idx.msk $0xffff, v6;
	v5 =	vmul.f32 $8.000000000e+00, v5  }
0xba: {  	v6 =	vor.u32 s19, v0;
	v8 =	vmul.f32 $8.000000000e+00, v13;
	v13 =	vld [tilespmem:s9+$0xFFFFFE70];
	[tilespmem:v10+s24+$0x0] =	vst.idx.msk $0xffff, v4  }
0xbb: {  	v4 =	vor.u32 s16, v0;
	v10 =	vld [tilespmem:s9+$0xFFFFFEF0];
	v7 =	vmul.f32 $8.000000000e+00, v7;
	[tilespmem:v11+s24+$0x0] =	vst.idx.msk $0xffff, v5  }
0xbc: {  	v5 =	vmul.f32 $8.000000000e+00, v16;
	[tilespmem:v17+s24+$0x0] =	vst.idx.msk $0xffff, v8;
	v8 =	vor.u32 s12, v2;
	v11 =	vld [tilespmem:s9+$0xFFFFFF70]  }
0xbd: {  	v17 =	vor.u32 s11, v2;
	v12 =	vmul.f32 $8.000000000e+00, v12;
	v16 =	vld [tilespmem:s2+$0xFFFFFFE0];
	[tilespmem:v9+s24+$0x0] =	vst.idx.msk $0xffff, v7  }
0xbe: {  	v7 =	vmul.f32 $8.000000000e+00, v14;
	[tilespmem:v15+s24+$0x0] =	vst.idx.msk $0xffff, v5;
	v5 =	vor.u32 s10, v2;
	v14 =	vld [tilespmem:s9+$0x0]  }
0xbf: {  	v18 =	vor.u32 s17, v1;
	v15 =	vld [tilespmem:s2+$0xFFFFFEE0];
	[tilespmem:v6+s24+$0x0] =	vst.idx.msk $0xffff, v12;
	v6 =	vmul.f32 $8.000000000e+00, v13  }
0xc0: {  	v19 =	vor.u32 s3, v3;
	s3 =	smov.u32 s17;
	[tilespmem:v4+s24+$0x0] =	vst.idx.msk $0xffff, v7;
	v7 =	vld [tilespmem:s2+$0xFFFFFF60];
	v4 =	vmul.f32 $8.000000000e+00, v10  }
0xc1: {  	v21 =	vor.u32 s20, v1;
	v20 =	vld [tilespmem:s2+$0xFFFFFE60];
	[tilespmem:v8+s24+$0x0] =	vst.idx.msk $0xffff, v6;
	v8 =	vmul.f32 $8.000000000e+00, v11  }
.Ltmp1:
0xc2: {  	v12 =	vor.u32 s19, v1;
	v10 =	vmul.f32 $8.000000000e+00, v16;
	v6 =	vld [tilespmem:s9+$0xFFFFFE80];
	[tilespmem:v17+s24+$0x0] =	vst.idx.msk $0xffff, v4;
	(pc) =	sbr.rel @p0 .LBB2_5-.Ltmp1, $4  }
0xc3: {  	v9 =	vor.u32 s16, v1;
	v4 =	vld [tilespmem:s9+$0xFFFFFF00];
	[tilespmem:v5+s24+$0x0] =	vst.idx.msk $0xffff, v8;
	v11 =	vmul.f32 $8.000000000e+00, v14  }
0xc4: {  	v8 =	vor.u32 s12, v3;
	s12 =	smov.u32 s16;
	v16 =	vmul.f32 $8.000000000e+00, v15;
	[tilespmem:v18+s24+$0x0] =	vst.idx.msk $0xffff, v10;
	v5 =	vld [tilespmem:s9+$0xFFFFFF80];
	s9 =	smov.u32 s2;
	s2 =	sadd.s32 $0x200, s2  }
0xc5: {  	s16 =	smov.u32 s18;
	v10 =	vor.u32 s11, v3;
	s11 =	smov.u32 s20;
	v13 =	vld [tilespmem:s2+$0xFFFFFFD0];
	v15 =	vmul.f32 $8.000000000e+00, v7;
	[tilespmem:v19+s24+$0x0] =	vst.idx.msk $0xffff, v11  }
0xc6: {  	s18 =	sadd.s32 $0x4, s18;
	s17 =	sadd.s32 $0x3, s16;
	v11 =	vor.u32 s10, v3;
	s10 =	smov.u32 s19;
	v14 =	vmul.f32 $8.000000000e+00, v20;
	[tilespmem:v21+s24+$0x0] =	vst.idx.msk $0xffff, v16;
	v7 =	vld [tilespmem:s9+$0xFFFFFFF0]  }
0xc7: {  	v16 =	vld [tilespmem:s2+$0xFFFFFE50]  }
0xc8: {  	v17 =	vld [tilespmem:s2+$0xFFFFFED0];
	v18 =	vor.u32 s17, v0  }
0xc9: {  	s18 =	sadd.s32 $0x1, s16;
	v19 =	vld [tilespmem:s2+$0xFFFFFF50];
	v20 =	vor.u32 s16, v0  }
0xca: {  	s19 =	sadd.s32 $0x2, s16;
	v21 =	vor.u32 s18, v0  }
0xcb: {  	v22 =	vor.u32 s19, v0;
	v13 =	vmul.f32 $8.000000000e+00, v13  }
0xcc: {  	[tilespmem:v12+s24+$0x0] =	vst.idx.msk $0xffff, v15;
	v16 =	vmul.f32 $8.000000000e+00, v16  }
0xcd: {  	[tilespmem:v18+s24+$0x0] =	vst.idx.msk $0xffff, v13;
	v23 =	vmul.f32 $8.000000000e+00, v17  }
0xce: {  	v24 =	vmul.f32 $8.000000000e+00, v19;
	v25 =	vld [tilespmem:s2+$0xFFFFFFE0];
	[tilespmem:v20+s24+$0x0] =	vst.idx.msk $0xffff, v16  }
0xcf: {  	[tilespmem:v21+s24+$0x0] =	vst.idx.msk $0xffff, v23;
	v26 =	vld [tilespmem:s2+$0xFFFFFE60]  }
0xd0: {  	v6 =	vmul.f32 $8.000000000e+00, v6;
	v28 =	vor.u32 s17, v1;
	[tilespmem:v22+s24+$0x0] =	vst.idx.msk $0xffff, v24;
	v27 =	vld [tilespmem:s2+$0xFFFFFEE0]  }
0xd1: {  	v30 =	vor.u32 s16, v1;
	[tilespmem:v9+s24+$0x0] =	vst.idx.msk $0xffff, v14;
	v4 =	vmul.f32 $8.000000000e+00, v4;
	v29 =	vld [tilespmem:s2+$0xFFFFFF60]  }
0xd2: {  	v31 =	vor.u32 s18, v1;
	[tilespmem:v8+s24+$0x0] =	vst.idx.msk $0xffff, v6;
	v5 =	vmul.f32 $8.000000000e+00, v5  }
0xd3: {  	v32 =	vld [tilespmem:s9+$0xFFFFFE70];
	[tilespmem:v10+s24+$0x0] =	vst.idx.msk $0xffff, v4;
	v4 =	vor.u32 s19, v1;
	v33 =	vmul.f32 $8.000000000e+00, v25  }
0xd4: {  	v34 =	vor.u32 s3, v2;
	v35 =	vld [tilespmem:s9+$0xFFFFFEF0];
	[tilespmem:v11+s24+$0x0] =	vst.idx.msk $0xffff, v5;
	v5 =	vmul.f32 $8.000000000e+00, v26  }
0xd5: {  	v36 =	vor.u32 s12, v2;
	v37 =	vld [tilespmem:s9+$0xFFFFFF70];
	v16 =	vmul.f32 $8.000000000e+00, v27;
	[tilespmem:v28+s24+$0x0] =	vst.idx.msk $0xffff, v33  }
0xd6: {  	v38 =	vor.u32 s11, v2;
	v9 =	vmul.f32 $8.000000000e+00, v29;
	v12 =	vld [tilespmem:s2+$0xFFFFFFF0];
	[tilespmem:v30+s24+$0x0] =	vst.idx.msk $0xffff, v5  }
0xd7: {  	v39 =	vor.u32 s10, v2;
	v5 =	vmul.f32 $8.000000000e+00, v7;
	[tilespmem:v31+s24+$0x0] =	vst.idx.msk $0xffff, v16;
	v40 =	vld [tilespmem:s2+$0xFFFFFE70]  }
0xd8: {  	v8 =	vmul.f32 $8.000000000e+00, v32;
	[tilespmem:v4+s24+$0x0] =	vst.idx.msk $0xffff, v9;
	v4 =	vor.u32 s17, v2;
	v41 =	vld [tilespmem:s2+$0xFFFFFEF0]  }
0xd9: {  	v42 =	vor.u32 s16, v2;
	v43 =	vld [tilespmem:s2+$0xFFFFFF70];
	[tilespmem:v34+s24+$0x0] =	vst.idx.msk $0xffff, v5;
	v5 =	vmul.f32 $8.000000000e+00, v35  }
0xda: {  	v46 =	vor.u32 s18, v2;
	v45 =	vmul.f32 $8.000000000e+00, v37;
	[tilespmem:v36+s24+$0x0] =	vst.idx.msk $0xffff, v8;
	v44 =	vld [tilespmem:s9+$0x0]  }
0xdb: {  	v48 =	vor.u32 s19, v2;
	v47 =	vld [tilespmem:s9+$0xFFFFFE80];
	[tilespmem:v38+s24+$0x0] =	vst.idx.msk $0xffff, v5;
	v5 =	vmul.f32 $8.000000000e+00, v12  }
0xdc: {  	v49 =	vor.u32 s3, v3;
	[tilespmem:v39+s24+$0x0] =	vst.idx.msk $0xffff, v45;
	v50 =	vld [tilespmem:s9+$0xFFFFFF00];
	v6 =	vmul.f32 $8.000000000e+00, v40  }
0xdd: {  	v51 =	vor.u32 s12, v3;
	v8 =	vld [tilespmem:s9+$0xFFFFFF80];
	[tilespmem:v4+s24+$0x0] =	vst.idx.msk $0xffff, v5;
	v4 =	vmul.f32 $8.000000000e+00, v41  }
0xde: {  	v5 =	vor.u32 s11, v3;
	v53 =	vmul.f32 $8.000000000e+00, v43;
	v52 =	vld [tilespmem:s2+$0x0];
	[tilespmem:v42+s24+$0x0] =	vst.idx.msk $0xffff, v6  }
0xdf: {  	v55 =	vor.u32 s10, v3;
	v54 =	vmul.f32 $8.000000000e+00, v44;
	[tilespmem:v46+s24+$0x0] =	vst.idx.msk $0xffff, v4;
	v56 =	vld [tilespmem:s2+$0xFFFFFE80]  }
0xe0: {  	v57 =	vor.u32 s17, v3;
	v4 =	vmul.f32 $8.000000000e+00, v47;
	[tilespmem:v48+s24+$0x0] =	vst.idx.msk $0xffff, v53;
	v58 =	vld [tilespmem:s2+$0xFFFFFF00]  }
0xe1: {  	v60 =	vor.u32 s16, v3;
	v61 =	vld [tilespmem:s2+$0xFFFFFF80];
	[tilespmem:v49+s24+$0x0] =	vst.idx.msk $0xffff, v54;
	v59 =	vmul.f32 $8.000000000e+00, v50  }
0xe2: {  	v62 =	vor.u32 s18, v3;
	[tilespmem:v51+s24+$0x0] =	vst.idx.msk $0xffff, v4;
	v4 =	vmul.f32 $8.000000000e+00, v8  }
0xe3: {  	v63 =	vor.u32 s19, v3;
	[tilespmem:v5+s24+$0x0] =	vst.idx.msk $0xffff, v59;
	v5 =	vmul.f32 $8.000000000e+00, v52  }
0xe4: {  	[tilespmem:v55+s24+$0x0] =	vst.idx.msk $0xffff, v4;
	v4 =	vmul.f32 $8.000000000e+00, v56  }
0xe5: {  	[tilespmem:v57+s24+$0x0] =	vst.idx.msk $0xffff, v5;
	v5 =	vmul.f32 $8.000000000e+00, v58  }
0xe6: {  	[tilespmem:v60+s24+$0x0] =	vst.idx.msk $0xffff, v4;
	v4 =	vmul.f32 $8.000000000e+00, v61  }
0xe7: {  	[tilespmem:v62+s24+$0x0] =	vst.idx.msk $0xffff, v5  }
0xe8: {  	s3 =	simm.s32 @!p1 $0x80;
	s2 =	sadd.s32 @!p1 $0x180, s5;
	s5 =	simm.s32 @!p1 $0xA400;
	[tilespmem:v63+s24+$0x0] =	vst.idx.msk $0xffff, v4  }
0xe9: {  	[tilespmem:s5], [sflag:$0x2] =	stream.indirect.gather @!p1 [hbm4b:s0+s3], $0x80, s2, s3, $0xb8;
	[tilespmem:$0x16400] =	vst v63  }
0xea: {  	s11 =	sadd.s32 s8, s7  }
0xeb: {  	[hbm4b:s11+s4] =	stream.linear.scatter [tilespmem:s24], [sflag:$0x4], $0x400, $0x38;
	[tilespmem:$0x16400] =	vst v63  }
0xec: {  	s12 =	sadd.s32 $0x1000, s11  }
0xed: {  	[hbm4b:s12+s4] =	stream.linear.scatter [tilespmem:s25], [sflag:$0x4], $0x400, $0x38;
	[tilespmem:$0x16400] =	vst v63  }
0xee: {  	s16 =	sadd.s32 $0x2000, s11  }
0xef: {  	[hbm4b:s16+s4] =	stream.linear.scatter [tilespmem:s26], [sflag:$0x4], $0x400, $0x38;
	[tilespmem:$0x16400] =	vst v63  }
0xf0: {  	s17 =	sadd.s32 $0x3000, s11  }
0xf1: {  	[hbm4b:s17+s4] =	stream.linear.scatter [tilespmem:s28], [sflag:$0x4], $0x400, $0x38;
	[tilespmem:$0x16400] =	vst v63  }
0xf2: {  	s13 =	sadd.s32 $0x1, s13;
	s18 =	sadd.s32 $0x4000, s11  }
0xf3: {  	[hbm4b:s18+s4] =	stream.linear.scatter [tilespmem:s29], [sflag:$0x4], $0x400, $0x38;
	[tilespmem:$0x16400] =	vst v63  }
0xf4: {  	p0 =	sne.s32 s13, $0x64;
	s19 =	sadd.s32 $0x5000, s11  }
0xf5: {  	[hbm4b:s19+s4] =	stream.linear.scatter [tilespmem:s30], [sflag:$0x4], $0x400, $0x38;
	[tilespmem:$0x16400] =	vst v63  }
.Ltmp2:
0xf6: {  	_ = 	snop;
	(pc) =	sbr.rel @p0 .LBB2_2-.Ltmp2, $4  }
0xf7: {  	s20 =	sadd.s32 $0x6000, s11  }
0xf8: {  	[hbm4b:s20+s4] =	stream.linear.scatter [tilespmem:s31], [sflag:$0x4], $0x400, $0x38;
	[tilespmem:$0x16400] =	vst v63  }
0xf9: {  	s2 =	sadd.s32 $0x7000, s11  }
0xfa: {  	[hbm4b:s2+s4] =	stream.linear.scatter [tilespmem:s1], [sflag:$0x4], $0x400, $0x38;
	[tilespmem:$0x16400] =	vst v63  }
0xfb: {  	s2 =	simm.s32 $0x3  }
0xfc: {  	_ =	swait.ge [sflag:s2], $0x2000  }
0xfd: {  	[sflag:s2] =	ssyncset.done $0x0  }
0xfe: {  	s3 =	simm.s32 $0x4;
	[sflag:s2] =	ssyncadd.s32 $0xFFFFE000  }
0xff: {  	_ =	swait.ge [sflag:s3], $0x2000  }
0x100: {  	s5 =	rddreg [dreg:$0x6]  }
0x101: {  	s20 =	rddreg [dreg:$0x5];
	s5 =	sadd.s32 $0x1, s5  }
0x102: {  	p0 =	sne.s32 s5, s20  }
.Ltmp3:
0x103: {  	_ = 	snop;
	(pc) =	sbr.rel @p0 .LBB2_1-.Ltmp3, $3  }
0x104: {  	_ =	sdelay $0x1  }
0x105: {  	[sflag:s3] =	ssyncset.done $0x0  }
0x106: {  	[sflag:s3] =	ssyncadd.s32 $0xFFFFE000  }
0x107: {  	_ =	sfence.sel $0x180000  }
0x108: {  	[bflag:$0x0] =	sbarrier.arrive $0xFFFF  }
0x109: {  	_ =	strace $0x90000047  }
0x10a: {  	s0 =	stileid.u32;
	[bflag:$0x2] =	sbarrier.arrive $0xFFFF  }
0x10b: {  	p0 =	sne.s32 s0, $0x0;
	s0 =	rddreg [dreg:$0x3]  }
0x10c: {  	s0 =	sadd.s32 @!p0 $0x100000, s0  }
0x10d: {  	[sflag:s0] =	ssyncadd.tile.s32 @!p0 $0x1;
	_ =	shalt  }
.Lfunc_end2:
_tile_overlayer_lowered:
.L_overlay_start_2:
0x10e: {  	(tag) =	ssettag $0x2  }
0x10f: {  	s0 =	rddreg [dreg:$0x0];
	s2 =	stileid.u32  }
0x110: {  	s1 =	rddreg [dreg:$0x1];
	p0 =	sne.s32 s2, $0x0  }
0x111: {  	s3 =	rddreg [dreg:$0x2];
	[bflag:$0x3] =	sbarrier.arrive $0xFFFF;
	s2 =	simm.s32 @!p0 $0x1C05  }
0x112: {  	[timem:s3], [sflag:s2] =	dma.local @!p0 [hbm:s0], s1  }
0x113: {  	s0 =	simm.s32 @!p0 $0x5  }
0x114: {  	_ =	swait.ge @!p0 [sflag:s0], s1  }
0x115: {  	s1 =	ssub.s32 @!p0 $0x0, s1;
	[sflag:s0] =	ssyncset.done @!p0 $0x0  }
0x116: {  	[sflag:s0] =	ssyncadd.s32 @!p0 s1  }
0x117: {  	[bflag:$0x3] =	sbarrier.arrive $0xFFFF  }
0x118: {  	_ =	shalt  }

</sc_bundles>
